<compile_context>
chip_gen: v7x
topology: tpu7x:2x2x1
jax: 0.10.2.dev20260603
libtpu: 0.0.44.dev20260713+nightly
codegen_flags: <defaults>
</compile_context>

<pallas_src>
import jax
import jax.numpy as jnp
from jax import lax
from jax.experimental import pallas as pl
from jax.experimental.pallas import tpu as pltpu
from jax.experimental.pallas import tpu_sc as plsc

_B, _T, _H, _W, _LW, _OD = 16, 256, 48, 64, 101, 128
_NF = _B * _T
_NBINS = 512
_NC, _NS = 2, 16
_TH = _T // 2
_PAD = (_LW - 1) // 2


def _sc_hist_body(ft_hbm, out_hbm, r0, g0, b0, r1, g1, b1, hist, sem0, sem1):
    cid = lax.axis_index("c")
    sid = lax.axis_index("s")
    wid = sid * _NC + cid
    bb = wid // 2
    tbase = (wid % 2) * _TH

    iota = lax.iota(jnp.int32, 16)
    zero16 = jnp.zeros((16,), jnp.int32)
    ones = jnp.ones((16,), jnp.int32)

    def start(h, bufs, sem):
        for c, buf in enumerate(bufs):
            pltpu.async_copy(
                ft_hbm.at[bb, h, c, :, pl.ds(tbase, _TH)], buf, sem)

    def wait(h, bufs, sem):
        for c, buf in enumerate(bufs):
            pltpu.make_async_copy(
                ft_hbm.at[bb, h, c, :, pl.ds(tbase, _TH)], buf, sem).wait()

    start(0, (r0, g0, b0), sem0)

    def zbody(i, c):
        for k in range(_TH // 16):
            hist[i, pl.ds(k * 16, 16)] = zero16
        return c

    lax.fori_loop(0, _NBINS, zbody, 0)

    def do_slab(rb, gb, bvb):
        @plsc.parallel_loop(0, 512, unroll=8)
        def pbody(j):
            wrow = j >> 3
            tc = (j & 7) * 16
            trow = tc + iota
            r = rb[wrow, pl.ds(tc, 16)]
            g = gb[wrow, pl.ds(tc, 16)]
            bv = bvb[wrow, pl.ds(tc, 16)]
            bins = ((r >> 5) << 6) + ((g >> 5) << 3) + (bv >> 5)
            plsc.addupdate_scatter(hist, [bins, trow], ones)

    npairs = _H // 2

    def pair_body(p, c):
        h = 2 * p
        start(h + 1, (r1, g1, b1), sem1)
        wait(h, (r0, g0, b0), sem0)
        do_slab(r0, g0, b0)

        @pl.when(p < npairs - 1)
        def _start_next():
            start(h + 2, (r0, g0, b0), sem0)

        wait(h + 1, (r1, g1, b1), sem1)
        do_slab(r1, g1, b1)
        return c

    lax.fori_loop(0, npairs, pair_body, 0)
    pltpu.sync_copy(hist, out_hbm.at[:, pl.ds(bb * _T + tbase, _TH)])


def _make_sc_hist(interpret=False):
    return pl.kernel(
        _sc_hist_body,
        out_type=jax.ShapeDtypeStruct((_NBINS, _NF), jnp.int32),
        mesh=plsc.VectorSubcoreMesh(
            core_axis_name="c", subcore_axis_name="s",
            num_cores=_NC, num_subcores=_NS),
        scratch_types=[
            pltpu.VMEM((_W, _TH), jnp.int32),
            pltpu.VMEM((_W, _TH), jnp.int32),
            pltpu.VMEM((_W, _TH), jnp.int32),
            pltpu.VMEM((_W, _TH), jnp.int32),
            pltpu.VMEM((_W, _TH), jnp.int32),
            pltpu.VMEM((_W, _TH), jnp.int32),
            pltpu.VMEM((_NBINS, _TH), jnp.int32),
            pltpu.SemaphoreType.DMA,
            pltpu.SemaphoreType.DMA,
        ],
        compiler_params=pltpu.CompilerParams(needs_layout_passes=False),
        interpret=interpret,
    )


_WN = 384
_CPS = 2


def _tc_dense_body(counts_ref, wr_ref, b_ref, out_ref):
    ir = lax.broadcasted_iota(jnp.int32, (_WN, _WN), 0)
    ic = lax.broadcasted_iota(jnp.int32, (_WN, _WN), 1)
    perm = jnp.where(ir + ic == _WN - 1, 1.0, 0.0)
    zpad = jnp.zeros((_T, _PAD), jnp.float32)
    zpad_r = jnp.zeros((_T, _WN - _T - _PAD), jnp.float32)
    for k in range(_CPS):
        x = counts_ref[:, pl.ds(k * _T, _T)].astype(jnp.float32)
        ssq = jnp.sum(x * x, axis=0, keepdims=True)
        xn = x * lax.rsqrt(ssq)
        sims = lax.dot_general(
            xn, xn, (((0,), (0,)), ((), ())),
            preferred_element_type=jnp.float32,
            precision=lax.Precision.DEFAULT)
        padded = jnp.concatenate([zpad, sims, zpad_r], axis=1)
        rev = lax.dot_general(
            padded, perm, (((1,), (0,)), ((), ())),
            preferred_element_type=jnp.float32,
            precision=lax.Precision.DEFAULT)
        r2 = pltpu.roll(rev, 0, 1, stride=1, stride_axis=0)
        y = lax.dot_general(
            r2, wr_ref[:, :], (((1,), (0,)), ((), ())),
            preferred_element_type=jnp.float32,
            precision=lax.Precision.DEFAULT)
        out_ref[k] = jnp.maximum(y + b_ref[0], 0.0)


def _tc_dense(counts3, wr, b2d, interpret=False):
    return pl.pallas_call(
        _tc_dense_body,
        grid=(_B // _CPS,),
        in_specs=[
            pl.BlockSpec((_NBINS, _CPS * _T), lambda i: (0, i)),
            pl.BlockSpec((_WN, _OD), lambda i: (0, 0)),
            pl.BlockSpec((1, _OD), lambda i: (0, 0)),
        ],
        out_specs=pl.BlockSpec((_CPS, _T, _OD), lambda i: (i, 0, 0)),
        out_shape=jax.ShapeDtypeStruct((_B, _T, _OD), jnp.float32),
        interpret=interpret,
    )(counts3, wr, b2d)


def kernel(frames, W, b):
    ft = jnp.transpose(frames.astype(jnp.int32), (0, 2, 4, 3, 1))
    counts = _make_sc_hist()(ft)
    wr = jnp.concatenate(
        [jnp.zeros((_WN - _LW, _OD), jnp.float32), W[::-1, :]], axis=0)
    return _tc_dense(counts, wr, b.reshape(1, _OD))

# --- scband reference (transcript-rebuilt; emitter-appended) ---
"""Pipeline reference for scband-color-histograms-43593918054920 (READ-ONLY COPY).

The authoritative reference and input builder live on the scoring server;
editing this copy changes nothing except your own understanding.
"""

import jax, jax.numpy as jnp
import numpy as np

B, T, H, W_, LW, OD = 16, 256, 48, 64, 101, 128


def setup_inputs(seed: int = 0) -> dict:
    key = jax.random.key(seed)
    k1, k2, k3 = jax.random.split(key, 3)
    frames = jax.random.randint(k1, (B, T, H, W_, 3), 0, 256, dtype=jnp.int32)
    W = jax.random.normal(k2, (LW, OD), dtype=jnp.float32) * 0.05
    b = jnp.zeros((OD,), dtype=jnp.float32)
    return {"frames": frames, "W": W, "b": b}


def _color_histograms(frames):
    frames = frames.astype(jnp.int32)
    bsz, tw, h, w, c = frames.shape
    ff = frames.reshape(bsz * tw, h * w, 3)
    R, G, Bc = ff[:, :, 0], ff[:, :, 1], ff[:, :, 2]
    bins = ((R >> 5) << 6) + ((G >> 5) << 3) + (Bc >> 5)
    prefix = (jnp.arange(bsz * tw, dtype=jnp.int32) << 9)[:, None]
    bins = (bins + prefix).reshape(-1)
    ones = jnp.ones_like(bins, dtype=jnp.int32)
    hist = jax.ops.segment_sum(ones, bins, num_segments=bsz * tw * 512)
    hist = hist.reshape(bsz, tw, 512).astype(jnp.float32)
    hist = hist / jnp.linalg.norm(hist, axis=2, keepdims=True)
    return hist


def reference(frames, W, b):
    x = _color_histograms(frames)
    bsz, tw = x.shape[0], x.shape[1]
    sims = jnp.einsum('btd,bsd->bts', x, x)
    pad = (LW - 1) // 2
    sims_padded = jnp.pad(sims, ((0, 0), (0, 0), (pad, pad)))
    bi = jnp.arange(bsz)[:, None, None]
    ti = jnp.arange(tw)[None, :, None]
    li = jnp.arange(LW)[None, None, :] + ti
    sims_g = sims_padded[bi, ti, li]
    out = jax.nn.relu(sims_g @ W + b)
    return out

if __name__ == "__main__":
    import jax
    _d = setup_inputs()
    print(jax.jit(kernel)(*tuple(_d.values())))

</pallas_src>

<mosaic_0001>
#map = affine_map<(d0, d1) -> (0, 0, 0, 0, 0)>
#map1 = affine_map<(d0, d1) -> (0, 0)>
module attributes {stable_mosaic.version = 14 : i64} {
  func.func @_sc_hist_body(%arg0: i32, %arg1: i32, %arg2: memref<16x48x3x64x256xi32, #tpu.memory_space<hbm>>, %arg3: memref<512x4096xi32, #tpu.memory_space<hbm>>, %arg4: memref<64x128xi32, #tpu.memory_space<vmem>>, %arg5: memref<64x128xi32, #tpu.memory_space<vmem>>, %arg6: memref<64x128xi32, #tpu.memory_space<vmem>>, %arg7: memref<64x128xi32, #tpu.memory_space<vmem>>, %arg8: memref<64x128xi32, #tpu.memory_space<vmem>>, %arg9: memref<64x128xi32, #tpu.memory_space<vmem>>, %arg10: memref<512x128xi32, #tpu.memory_space<vmem>>, %arg11: memref<!tpu.dma_semaphore, #tpu.memory_space<semaphore_mem>>, %arg12: memref<!tpu.dma_semaphore, #tpu.memory_space<semaphore_mem>>) attributes {dimension_semantics = [#tpu.dimension_semantics<core_parallel>, #tpu.dimension_semantics<subcore_parallel>], iteration_bounds = array<i64: 2, 16>, scalar_prefetch = 0 : i64, scratch_operands = 9 : i64, tpu.core_type = #tpu.core_type<sc_vector_subcore>, window_params = [{transform_indices = #map}, {transform_indices = #map1}]} {
    %mul3A = arith.constant 2 : i32
    %mul3A_0 = arith.muli %arg1, %mul3A : i32
    %add3A = arith.addi %mul3A_0, %arg0 : i32
    %jit3A = arith.constant 2 : i32
    %div3A = arith.divsi %add3A, %jit3A : i32
    %sign3A = arith.constant 0 : i32
    %sign3A_1 = arith.cmpi sgt, %add3A, %sign3A : i32
    %sign3A_2 = arith.extui %sign3A_1 : i1 to i32
    %sign3A_3 = arith.constant 0 : i32
    %sign3A_4 = arith.cmpi slt, %add3A, %sign3A_3 : i32
    %sign3A_5 = arith.extui %sign3A_4 : i1 to i32
    %sign3A_6 = arith.subi %sign3A_2, %sign3A_5 : i32
    %sign3A_7 = arith.constant 0 : i32
    %sign3A_8 = arith.cmpi sgt, %jit3A, %sign3A_7 : i32
    %sign3A_9 = arith.extui %sign3A_8 : i1 to i32
    %sign3A_10 = arith.constant 0 : i32
    %sign3A_11 = arith.cmpi slt, %jit3A, %sign3A_10 : i32
    %sign3A_12 = arith.extui %sign3A_11 : i1 to i32
    %sign3A_13 = arith.subi %sign3A_9, %sign3A_12 : i32
    %ne3A = arith.cmpi ne, %sign3A_6, %sign3A_13 : i32
    %rem3A = arith.remsi %add3A, %jit3A : i32
    %ne3A_14 = arith.constant 0 : i32
    %ne3A_15 = arith.cmpi ne, %rem3A, %ne3A_14 : i32
    %and3A = arith.andi %ne3A, %ne3A_15 : i1
    %sub3A = arith.constant 1 : i32
    %sub3A_16 = arith.subi %div3A, %sub3A : i32
    %select_n3A = arith.select %and3A, %sub3A_16, %div3A : i32
    %jit3A_17 = arith.constant 2 : i32
    %eq3A = arith.constant 0 : i32
    %eq3A_18 = arith.cmpi eq, %jit3A_17, %eq3A : i32
    %jit3A_19 = arith.constant 1 : i32
    %select_n3A_20 = arith.select %eq3A_18, %jit3A_19, %jit3A_17 : i32
    %rem3A_21 = arith.remsi %add3A, %select_n3A_20 : i32
    %ne3A_22 = arith.constant 0 : i32
    %ne3A_23 = arith.cmpi ne, %rem3A_21, %ne3A_22 : i32
    %lt3A = arith.constant 0 : i32
    %lt3A_24 = arith.cmpi slt, %rem3A_21, %lt3A : i32
    %lt3A_25 = arith.constant 0 : i32
    %lt3A_26 = arith.cmpi slt, %select_n3A_20, %lt3A_25 : i32
    %ne3A_27 = arith.xori %lt3A_24, %lt3A_26 : i1
    %and3A_28 = arith.andi %ne3A_27, %ne3A_23 : i1
    %add3A_29 = arith.addi %rem3A_21, %select_n3A_20 : i32
    %select_n3A_30 = arith.select %and3A_28, %add3A_29, %rem3A_21 : i32
    %mul3A_31 = arith.constant 128 : i32
    %mul3A_32 = arith.muli %select_n3A_30, %mul3A_31 : i32
    %iota3A = tpu.iota {dimensions = array<i32: 0>} : vector<16xi32>
    %broadcast_in_dim3A = arith.constant 0 : i32
    %broadcast_in_dim3A_33 = vector.broadcast %broadcast_in_dim3A : i32 to vector<16xi32>
    %broadcast_in_dim3A_34 = arith.constant 1 : i32
    %broadcast_in_dim3A_35 = vector.broadcast %broadcast_in_dim3A_34 : i32 to vector<16xi32>
    %dma_start3A = arith.constant 0 : i32
    %dma_start3A_36 = arith.constant 0 : i32
    %dma_start3A_37 = arith.constant 0 : i32
    %dma_start3A_38 = tpu.memref_slice %arg2[%select_n3A, %dma_start3A, %dma_start3A_36, %dma_start3A_37, %mul3A_32] : memref<16x48x3x64x256xi32, #tpu.memory_space<hbm>> -> memref<1x1x1x64x128xi32, #tpu.memory_space<hbm>>
    %dma_start3A_39 = tpu.memref_squeeze %dma_start3A_38 : memref<1x1x1x64x128xi32, #tpu.memory_space<hbm>> -> memref<64x128xi32, #tpu.memory_space<hbm>>
    %dma_start3A_40 = arith.constant 0 : i32
    %dma_start3A_41 = tpu.memref_slice %arg2[%select_n3A, %dma_start3A, %dma_start3A_36, %dma_start3A_40, %mul3A_32] : memref<16x48x3x64x256xi32, #tpu.memory_space<hbm>> -> memref<1x1x1x64x128xi32, #tpu.memory_space<hbm>>
    %dma_start3A_42 = tpu.memref_squeeze %dma_start3A_41 : memref<1x1x1x64x128xi32, #tpu.memory_space<hbm>> -> memref<64x128xi32, #tpu.memory_space<hbm>>
    tpu.enqueue_dma source(%dma_start3A_42 : memref<64x128xi32, #tpu.memory_space<hbm>>) target(%arg4 : memref<64x128xi32, #tpu.memory_space<vmem>>) target_semaphore(%arg11 : memref<!tpu.dma_semaphore, #tpu.memory_space<semaphore_mem>>)
    %dma_start3A_43 = arith.constant 0 : i32
    %dma_start3A_44 = arith.constant 1 : i32
    %dma_start3A_45 = arith.constant 0 : i32
    %dma_start3A_46 = tpu.memref_slice %arg2[%select_n3A, %dma_start3A_43, %dma_start3A_44, %dma_start3A_45, %mul3A_32] : memref<16x48x3x64x256xi32, #tpu.memory_space<hbm>> -> memref<1x1x1x64x128xi32, #tpu.memory_space<hbm>>
    %dma_start3A_47 = tpu.memref_squeeze %dma_start3A_46 : memref<1x1x1x64x128xi32, #tpu.memory_space<hbm>> -> memref<64x128xi32, #tpu.memory_space<hbm>>
    %dma_start3A_48 = arith.constant 0 : i32
    %dma_start3A_49 = tpu.memref_slice %arg2[%select_n3A, %dma_start3A_43, %dma_start3A_44, %dma_start3A_48, %mul3A_32] : memref<16x48x3x64x256xi32, #tpu.memory_space<hbm>> -> memref<1x1x1x64x128xi32, #tpu.memory_space<hbm>>
    %dma_start3A_50 = tpu.memref_squeeze %dma_start3A_49 : memref<1x1x1x64x128xi32, #tpu.memory_space<hbm>> -> memref<64x128xi32, #tpu.memory_space<hbm>>
    tpu.enqueue_dma source(%dma_start3A_50 : memref<64x128xi32, #tpu.memory_space<hbm>>) target(%arg5 : memref<64x128xi32, #tpu.memory_space<vmem>>) target_semaphore(%arg11 : memref<!tpu.dma_semaphore, #tpu.memory_space<semaphore_mem>>)
    %dma_start3A_51 = arith.constant 0 : i32
    %dma_start3A_52 = arith.constant 2 : i32
    %dma_start3A_53 = arith.constant 0 : i32
    %dma_start3A_54 = tpu.memref_slice %arg2[%select_n3A, %dma_start3A_51, %dma_start3A_52, %dma_start3A_53, %mul3A_32] : memref<16x48x3x64x256xi32, #tpu.memory_space<hbm>> -> memref<1x1x1x64x128xi32, #tpu.memory_space<hbm>>
    %dma_start3A_55 = tpu.memref_squeeze %dma_start3A_54 : memref<1x1x1x64x128xi32, #tpu.memory_space<hbm>> -> memref<64x128xi32, #tpu.memory_space<hbm>>
    %dma_start3A_56 = arith.constant 0 : i32
    %dma_start3A_57 = tpu.memref_slice %arg2[%select_n3A, %dma_start3A_51, %dma_start3A_52, %dma_start3A_56, %mul3A_32] : memref<16x48x3x64x256xi32, #tpu.memory_space<hbm>> -> memref<1x1x1x64x128xi32, #tpu.memory_space<hbm>>
    %dma_start3A_58 = tpu.memref_squeeze %dma_start3A_57 : memref<1x1x1x64x128xi32, #tpu.memory_space<hbm>> -> memref<64x128xi32, #tpu.memory_space<hbm>>
    tpu.enqueue_dma source(%dma_start3A_58 : memref<64x128xi32, #tpu.memory_space<hbm>>) target(%arg6 : memref<64x128xi32, #tpu.memory_space<vmem>>) target_semaphore(%arg11 : memref<!tpu.dma_semaphore, #tpu.memory_space<semaphore_mem>>)
    %scan3A = arith.constant 0 : i32
    %scan3A_59 = arith.constant 0 : i32
    %scan3A_60 = arith.constant 512 : i32
    %scan3A_61 = arith.addi %scan3A_59, %scan3A_60 : i32
    %scan3A_62 = arith.constant 1 : i32
    scf.for %scan3A_73 = %scan3A_59 to %scan3A_61 step %scan3A_62  : i32 {
      %swap3A = arith.index_cast %scan3A_73 : i32 to index
      %swap3A_74 = arith.constant 0 : index
      %swap3A_75 = tpu.vector_load %arg10[%swap3A, %swap3A_74] {strides = array<i32>} : memref<512x128xi32, #tpu.memory_space<vmem>>, vector<16xi32>,
      tpu.vector_store %arg10[%swap3A, %swap3A_74], %broadcast_in_dim3A_33 {strides = array<i32>} : memref<512x128xi32, #tpu.memory_space<vmem>>, vector<16xi32>,
      %swap3A_76 = arith.index_cast %scan3A_73 : i32 to index
      %swap3A_77 = arith.constant 16 : index
      %swap3A_78 = tpu.vector_load %arg10[%swap3A_76, %swap3A_77] {strides = array<i32>} : memref<512x128xi32, #tpu.memory_space<vmem>>, vector<16xi32>,
      tpu.vector_store %arg10[%swap3A_76, %swap3A_77], %broadcast_in_dim3A_33 {strides = array<i32>} : memref<512x128xi32, #tpu.memory_space<vmem>>, vector<16xi32>,
      %swap3A_79 = arith.index_cast %scan3A_73 : i32 to index
      %swap3A_80 = arith.constant 32 : index
      %swap3A_81 = tpu.vector_load %arg10[%swap3A_79, %swap3A_80] {strides = array<i32>} : memref<512x128xi32, #tpu.memory_space<vmem>>, vector<16xi32>,
      tpu.vector_store %arg10[%swap3A_79, %swap3A_80], %broadcast_in_dim3A_33 {strides = array<i32>} : memref<512x128xi32, #tpu.memory_space<vmem>>, vector<16xi32>,
      %swap3A_82 = arith.index_cast %scan3A_73 : i32 to index
      %swap3A_83 = arith.constant 48 : index
      %swap3A_84 = tpu.vector_load %arg10[%swap3A_82, %swap3A_83] {strides = array<i32>} : memref<512x128xi32, #tpu.memory_space<vmem>>, vector<16xi32>,
      tpu.vector_store %arg10[%swap3A_82, %swap3A_83], %broadcast_in_dim3A_33 {strides = array<i32>} : memref<512x128xi32, #tpu.memory_space<vmem>>, vector<16xi32>,
      %swap3A_85 = arith.index_cast %scan3A_73 : i32 to index
      %swap3A_86 = arith.constant 64 : index
      %swap3A_87 = tpu.vector_load %arg10[%swap3A_85, %swap3A_86] {strides = array<i32>} : memref<512x128xi32, #tpu.memory_space<vmem>>, vector<16xi32>,
      tpu.vector_store %arg10[%swap3A_85, %swap3A_86], %broadcast_in_dim3A_33 {strides = array<i32>} : memref<512x128xi32, #tpu.memory_space<vmem>>, vector<16xi32>,
      %swap3A_88 = arith.index_cast %scan3A_73 : i32 to index
      %swap3A_89 = arith.constant 80 : index
      %swap3A_90 = tpu.vector_load %arg10[%swap3A_88, %swap3A_89] {strides = array<i32>} : memref<512x128xi32, #tpu.memory_space<vmem>>, vector<16xi32>,
      tpu.vector_store %arg10[%swap3A_88, %swap3A_89], %broadcast_in_dim3A_33 {strides = array<i32>} : memref<512x128xi32, #tpu.memory_space<vmem>>, vector<16xi32>,
      %swap3A_91 = arith.index_cast %scan3A_73 : i32 to index
      %swap3A_92 = arith.constant 96 : index
      %swap3A_93 = tpu.vector_load %arg10[%swap3A_91, %swap3A_92] {strides = array<i32>} : memref<512x128xi32, #tpu.memory_space<vmem>>, vector<16xi32>,
      tpu.vector_store %arg10[%swap3A_91, %swap3A_92], %broadcast_in_dim3A_33 {strides = array<i32>} : memref<512x128xi32, #tpu.memory_space<vmem>>, vector<16xi32>,
      %swap3A_94 = arith.index_cast %scan3A_73 : i32 to index
      %swap3A_95 = arith.constant 112 : index
      %swap3A_96 = tpu.vector_load %arg10[%swap3A_94, %swap3A_95] {strides = array<i32>} : memref<512x128xi32, #tpu.memory_space<vmem>>, vector<16xi32>,
      tpu.vector_store %arg10[%swap3A_94, %swap3A_95], %broadcast_in_dim3A_33 {strides = array<i32>} : memref<512x128xi32, #tpu.memory_space<vmem>>, vector<16xi32>,
    }
    %scan3A_63 = arith.constant 512 : i32
    %scan3A_64 = arith.constant 0 : i32
    %scan3A_65 = arith.constant 0 : i32
    %scan3A_66 = arith.constant 24 : i32
    %scan3A_67 = arith.addi %scan3A_65, %scan3A_66 : i32
    %scan3A_68 = arith.constant 1 : i32
    scf.for %scan3A_73 = %scan3A_65 to %scan3A_67 step %scan3A_68  : i32 {
      %mul3A_74 = arith.constant 2 : i32
      %mul3A_75 = arith.muli %mul3A_74, %scan3A_73 : i32
      %add3A_76 = arith.constant 1 : i32
      %add3A_77 = arith.addi %mul3A_75, %add3A_76 : i32
      %dma_start3A_78 = arith.constant 0 : i32
      %dma_start3A_79 = arith.constant 0 : i32
      %dma_start3A_80 = tpu.memref_slice %arg2[%select_n3A, %add3A_77, %dma_start3A_78, %dma_start3A_79, %mul3A_32] : memref<16x48x3x64x256xi32, #tpu.memory_space<hbm>> -> memref<1x1x1x64x128xi32, #tpu.memory_space<hbm>>
      %dma_start3A_81 = tpu.memref_squeeze %dma_start3A_80 : memref<1x1x1x64x128xi32, #tpu.memory_space<hbm>> -> memref<64x128xi32, #tpu.memory_space<hbm>>
      %dma_start3A_82 = arith.constant 0 : i32
      %dma_start3A_83 = tpu.memref_slice %arg2[%select_n3A, %add3A_77, %dma_start3A_78, %dma_start3A_82, %mul3A_32] : memref<16x48x3x64x256xi32, #tpu.memory_space<hbm>> -> memref<1x1x1x64x128xi32, #tpu.memory_space<hbm>>
      %dma_start3A_84 = tpu.memref_squeeze %dma_start3A_83 : memref<1x1x1x64x128xi32, #tpu.memory_space<hbm>> -> memref<64x128xi32, #tpu.memory_space<hbm>>
      tpu.enqueue_dma source(%dma_start3A_84 : memref<64x128xi32, #tpu.memory_space<hbm>>) target(%arg7 : memref<64x128xi32, #tpu.memory_space<vmem>>) target_semaphore(%arg12 : memref<!tpu.dma_semaphore, #tpu.memory_space<semaphore_mem>>)
      %dma_start3A_85 = arith.constant 1 : i32
      %dma_start3A_86 = arith.constant 0 : i32
      %dma_start3A_87 = tpu.memref_slice %arg2[%select_n3A, %add3A_77, %dma_start3A_85, %dma_start3A_86, %mul3A_32] : memref<16x48x3x64x256xi32, #tpu.memory_space<hbm>> -> memref<1x1x1x64x128xi32, #tpu.memory_space<hbm>>
      %dma_start3A_88 = tpu.memref_squeeze %dma_start3A_87 : memref<1x1x1x64x128xi32, #tpu.memory_space<hbm>> -> memref<64x128xi32, #tpu.memory_space<hbm>>
      %dma_start3A_89 = arith.constant 0 : i32
      %dma_start3A_90 = tpu.memref_slice %arg2[%select_n3A, %add3A_77, %dma_start3A_85, %dma_start3A_89, %mul3A_32] : memref<16x48x3x64x256xi32, #tpu.memory_space<hbm>> -> memref<1x1x1x64x128xi32, #tpu.memory_space<hbm>>
      %dma_start3A_91 = tpu.memref_squeeze %dma_start3A_90 : memref<1x1x1x64x128xi32, #tpu.memory_space<hbm>> -> memref<64x128xi32, #tpu.memory_space<hbm>>
      tpu.enqueue_dma source(%dma_start3A_91 : memref<64x128xi32, #tpu.memory_space<hbm>>) target(%arg8 : memref<64x128xi32, #tpu.memory_space<vmem>>) target_semaphore(%arg12 : memref<!tpu.dma_semaphore, #tpu.memory_space<semaphore_mem>>)
      %dma_start3A_92 = arith.constant 2 : i32
      %dma_start3A_93 = arith.constant 0 : i32
      %dma_start3A_94 = tpu.memref_slice %arg2[%select_n3A, %add3A_77, %dma_start3A_92, %dma_start3A_93, %mul3A_32] : memref<16x48x3x64x256xi32, #tpu.memory_space<hbm>> -> memref<1x1x1x64x128xi32, #tpu.memory_space<hbm>>
      %dma_start3A_95 = tpu.memref_squeeze %dma_start3A_94 : memref<1x1x1x64x128xi32, #tpu.memory_space<hbm>> -> memref<64x128xi32, #tpu.memory_space<hbm>>
      %dma_start3A_96 = arith.constant 0 : i32
      %dma_start3A_97 = tpu.memref_slice %arg2[%select_n3A, %add3A_77, %dma_start3A_92, %dma_start3A_96, %mul3A_32] : memref<16x48x3x64x256xi32, #tpu.memory_space<hbm>> -> memref<1x1x1x64x128xi32, #tpu.memory_space<hbm>>
      %dma_start3A_98 = tpu.memref_squeeze %dma_start3A_97 : memref<1x1x1x64x128xi32, #tpu.memory_space<hbm>> -> memref<64x128xi32, #tpu.memory_space<hbm>>
      tpu.enqueue_dma source(%dma_start3A_98 : memref<64x128xi32, #tpu.memory_space<hbm>>) target(%arg9 : memref<64x128xi32, #tpu.memory_space<vmem>>) target_semaphore(%arg12 : memref<!tpu.dma_semaphore, #tpu.memory_space<semaphore_mem>>)
      %dma_wait3A = arith.constant 0 : i32
      %dma_wait3A_99 = arith.constant 0 : i32
      %dma_wait3A_100 = tpu.memref_slice %arg2[%select_n3A, %mul3A_75, %dma_wait3A, %dma_wait3A_99, %mul3A_32] : memref<16x48x3x64x256xi32, #tpu.memory_space<hbm>> -> memref<1x1x1x64x128xi32, #tpu.memory_space<hbm>>
      %dma_wait3A_101 = tpu.memref_squeeze %dma_wait3A_100 : memref<1x1x1x64x128xi32, #tpu.memory_space<hbm>> -> memref<64x128xi32, #tpu.memory_space<hbm>>
      %dma_wait3A_102 = arith.constant 0 : i32
      %dma_wait3A_103 = tpu.memref_slice %arg2[%select_n3A, %mul3A_75, %dma_wait3A, %dma_wait3A_102, %mul3A_32] : memref<16x48x3x64x256xi32, #tpu.memory_space<hbm>> -> memref<1x1x1x64x128xi32, #tpu.memory_space<hbm>>
      %dma_wait3A_104 = tpu.memref_squeeze %dma_wait3A_103 : memref<1x1x1x64x128xi32, #tpu.memory_space<hbm>> -> memref<64x128xi32, #tpu.memory_space<hbm>>
      tpu.wait_dma2 semaphore(%arg11 : memref<!tpu.dma_semaphore, #tpu.memory_space<semaphore_mem>>) src(%dma_wait3A_104 : memref<64x128xi32, #tpu.memory_space<hbm>>) dst(%arg4 : memref<64x128xi32, #tpu.memory_space<vmem>>)
      %dma_wait3A_105 = arith.constant 1 : i32
      %dma_wait3A_106 = arith.constant 0 : i32
      %dma_wait3A_107 = tpu.memref_slice %arg2[%select_n3A, %mul3A_75, %dma_wait3A_105, %dma_wait3A_106, %mul3A_32] : memref<16x48x3x64x256xi32, #tpu.memory_space<hbm>> -> memref<1x1x1x64x128xi32, #tpu.memory_space<hbm>>
      %dma_wait3A_108 = tpu.memref_squeeze %dma_wait3A_107 : memref<1x1x1x64x128xi32, #tpu.memory_space<hbm>> -> memref<64x128xi32, #tpu.memory_space<hbm>>
      %dma_wait3A_109 = arith.constant 0 : i32
      %dma_wait3A_110 = tpu.memref_slice %arg2[%select_n3A, %mul3A_75, %dma_wait3A_105, %dma_wait3A_109, %mul3A_32] : memref<16x48x3x64x256xi32, #tpu.memory_space<hbm>> -> memref<1x1x1x64x128xi32, #tpu.memory_space<hbm>>
      %dma_wait3A_111 = tpu.memref_squeeze %dma_wait3A_110 : memref<1x1x1x64x128xi32, #tpu.memory_space<hbm>> -> memref<64x128xi32, #tpu.memory_space<hbm>>
      tpu.wait_dma2 semaphore(%arg11 : memref<!tpu.dma_semaphore, #tpu.memory_space<semaphore_mem>>) src(%dma_wait3A_111 : memref<64x128xi32, #tpu.memory_space<hbm>>) dst(%arg5 : memref<64x128xi32, #tpu.memory_space<vmem>>)
      %dma_wait3A_112 = arith.constant 2 : i32
      %dma_wait3A_113 = arith.constant 0 : i32
      %dma_wait3A_114 = tpu.memref_slice %arg2[%select_n3A, %mul3A_75, %dma_wait3A_112, %dma_wait3A_113, %mul3A_32] : memref<16x48x3x64x256xi32, #tpu.memory_space<hbm>> -> memref<1x1x1x64x128xi32, #tpu.memory_space<hbm>>
      %dma_wait3A_115 = tpu.memref_squeeze %dma_wait3A_114 : memref<1x1x1x64x128xi32, #tpu.memory_space<hbm>> -> memref<64x128xi32, #tpu.memory_space<hbm>>
      %dma_wait3A_116 = arith.constant 0 : i32
      %dma_wait3A_117 = tpu.memref_slice %arg2[%select_n3A, %mul3A_75, %dma_wait3A_112, %dma_wait3A_116, %mul3A_32] : memref<16x48x3x64x256xi32, #tpu.memory_space<hbm>> -> memref<1x1x1x64x128xi32, #tpu.memory_space<hbm>>
      %dma_wait3A_118 = tpu.memref_squeeze %dma_wait3A_117 : memref<1x1x1x64x128xi32, #tpu.memory_space<hbm>> -> memref<64x128xi32, #tpu.memory_space<hbm>>
      tpu.wait_dma2 semaphore(%arg11 : memref<!tpu.dma_semaphore, #tpu.memory_space<semaphore_mem>>) src(%dma_wait3A_118 : memref<64x128xi32, #tpu.memory_space<hbm>>) dst(%arg6 : memref<64x128xi32, #tpu.memory_space<vmem>>)
      %parallel_loop3A = arith.constant 0 : i32
      %parallel_loop3A_119 = arith.constant 512 : i32
      %parallel_loop3A_120 = arith.constant 1 : i32
      scf.for %parallel_loop3A_150 = %parallel_loop3A to %parallel_loop3A_119 step %parallel_loop3A_120  : i32 {
        %parallel_loop3A_151 = arith.constant 3 : i32
        %parallel_loop3A_152 = arith.shrsi %parallel_loop3A_150, %parallel_loop3A_151 : i32
        %parallel_loop3A_153 = arith.constant 7 : i32
        %parallel_loop3A_154 = arith.andi %parallel_loop3A_150, %parallel_loop3A_153 : i32
        %parallel_loop3A_155 = arith.constant 16 : i32
        %parallel_loop3A_156 = arith.muli %parallel_loop3A_154, %parallel_loop3A_155 : i32
        %parallel_loop3A_157 = vector.broadcast %parallel_loop3A_156 : i32 to vector<16xi32>
        %parallel_loop3A_158 = arith.addi %parallel_loop3A_157, %iota3A : vector<16xi32>
        %parallel_loop3A_159 = arith.index_cast %parallel_loop3A_152 : i32 to index
        %parallel_loop3A_160 = arith.index_cast %parallel_loop3A_156 : i32 to index
        %parallel_loop3A_161 = tpu.vector_load %arg4[%parallel_loop3A_159, %parallel_loop3A_160] {strides = array<i32>} : memref<64x128xi32, #tpu.memory_space<vmem>>, vector<16xi32>,
        %parallel_loop3A_162 = arith.index_cast %parallel_loop3A_152 : i32 to index
        %parallel_loop3A_163 = arith.index_cast %parallel_loop3A_156 : i32 to index
        %parallel_loop3A_164 = tpu.vector_load %arg5[%parallel_loop3A_162, %parallel_loop3A_163] {strides = array<i32>} : memref<64x128xi32, #tpu.memory_space<vmem>>, vector<16xi32>,
        %parallel_loop3A_165 = arith.index_cast %parallel_loop3A_152 : i32 to index
        %parallel_loop3A_166 = arith.index_cast %parallel_loop3A_156 : i32 to index
        %parallel_loop3A_167 = tpu.vector_load %arg6[%parallel_loop3A_165, %parallel_loop3A_166] {strides = array<i32>} : memref<64x128xi32, #tpu.memory_space<vmem>>, vector<16xi32>,
        %parallel_loop3A_168 = arith.constant 5 : i32
        %parallel_loop3A_169 = vector.broadcast %parallel_loop3A_168 : i32 to vector<16xi32>
        %parallel_loop3A_170 = arith.shrsi %parallel_loop3A_161, %parallel_loop3A_169 : vector<16xi32>
        %parallel_loop3A_171 = arith.constant 6 : i32
        %parallel_loop3A_172 = vector.broadcast %parallel_loop3A_171 : i32 to vector<16xi32>
        %parallel_loop3A_173 = arith.shli %parallel_loop3A_170, %parallel_loop3A_172 : vector<16xi32>
        %parallel_loop3A_174 = arith.constant 5 : i32
        %parallel_loop3A_175 = vector.broadcast %parallel_loop3A_174 : i32 to vector<16xi32>
        %parallel_loop3A_176 = arith.shrsi %parallel_loop3A_164, %parallel_loop3A_175 : vector<16xi32>
        %parallel_loop3A_177 = arith.constant 3 : i32
        %parallel_loop3A_178 = vector.broadcast %parallel_loop3A_177 : i32 to vector<16xi32>
        %parallel_loop3A_179 = arith.shli %parallel_loop3A_176, %parallel_loop3A_178 : vector<16xi32>
        %parallel_loop3A_180 = arith.addi %parallel_loop3A_173, %parallel_loop3A_179 : vector<16xi32>
        %parallel_loop3A_181 = arith.constant 5 : i32
        %parallel_loop3A_182 = vector.broadcast %parallel_loop3A_181 : i32 to vector<16xi32>
        %parallel_loop3A_183 = arith.shrsi %parallel_loop3A_167, %parallel_loop3A_182 : vector<16xi32>
        %parallel_loop3A_184 = arith.addi %parallel_loop3A_180, %parallel_loop3A_183 : vector<16xi32>
        tpu.vector_store_idx %arg10[%parallel_loop3A_184, %parallel_loop3A_158], %broadcast_in_dim3A_35 {add = true} : memref<512x128xi32, #tpu.memory_space<vmem>>[vector<16xi32>, vector<16xi32>], vector<16xi32>,
      } {sc.loop_unroll_factor = 8 : i64, sc.parallel_access}
      %lt3A_121 = arith.constant 23 : i32
      %lt3A_122 = arith.cmpi slt, %scan3A_73, %lt3A_121 : i32
      %convert_element_type3A = arith.extui %lt3A_122 : i1 to i32
      %cond3A = arith.constant 0 : i32
      %cond3A_123 = arith.cmpi ne, %convert_element_type3A, %cond3A : i32
      scf.if %cond3A_123 {
        %add3A_150 = arith.constant 2 : i32
        %add3A_151 = arith.addi %mul3A_75, %add3A_150 : i32
        %dma_start3A_152 = arith.constant 0 : i32
        %dma_start3A_153 = arith.constant 0 : i32
        %dma_start3A_154 = tpu.memref_slice %arg2[%select_n3A, %add3A_151, %dma_start3A_152, %dma_start3A_153, %mul3A_32] : memref<16x48x3x64x256xi32, #tpu.memory_space<hbm>> -> memref<1x1x1x64x128xi32, #tpu.memory_space<hbm>>
        %dma_start3A_155 = tpu.memref_squeeze %dma_start3A_154 : memref<1x1x1x64x128xi32, #tpu.memory_space<hbm>> -> memref<64x128xi32, #tpu.memory_space<hbm>>
        %dma_start3A_156 = arith.constant 0 : i32
        %dma_start3A_157 = tpu.memref_slice %arg2[%select_n3A, %add3A_151, %dma_start3A_152, %dma_start3A_156, %mul3A_32] : memref<16x48x3x64x256xi32, #tpu.memory_space<hbm>> -> memref<1x1x1x64x128xi32, #tpu.memory_space<hbm>>
        %dma_start3A_158 = tpu.memref_squeeze %dma_start3A_157 : memref<1x1x1x64x128xi32, #tpu.memory_space<hbm>> -> memref<64x128xi32, #tpu.memory_space<hbm>>
        tpu.enqueue_dma source(%dma_start3A_158 : memref<64x128xi32, #tpu.memory_space<hbm>>) target(%arg4 : memref<64x128xi32, #tpu.memory_space<vmem>>) target_semaphore(%arg11 : memref<!tpu.dma_semaphore, #tpu.memory_space<semaphore_mem>>)
        %dma_start3A_159 = arith.constant 1 : i32
        %dma_start3A_160 = arith.constant 0 : i32
        %dma_start3A_161 = tpu.memref_slice %arg2[%select_n3A, %add3A_151, %dma_start3A_159, %dma_start3A_160, %mul3A_32] : memref<16x48x3x64x256xi32, #tpu.memory_space<hbm>> -> memref<1x1x1x64x128xi32, #tpu.memory_space<hbm>>
        %dma_start3A_162 = tpu.memref_squeeze %dma_start3A_161 : memref<1x1x1x64x128xi32, #tpu.memory_space<hbm>> -> memref<64x128xi32, #tpu.memory_space<hbm>>
        %dma_start3A_163 = arith.constant 0 : i32
        %dma_start3A_164 = tpu.memref_slice %arg2[%select_n3A, %add3A_151, %dma_start3A_159, %dma_start3A_163, %mul3A_32] : memref<16x48x3x64x256xi32, #tpu.memory_space<hbm>> -> memref<1x1x1x64x128xi32, #tpu.memory_space<hbm>>
        %dma_start3A_165 = tpu.memref_squeeze %dma_start3A_164 : memref<1x1x1x64x128xi32, #tpu.memory_space<hbm>> -> memref<64x128xi32, #tpu.memory_space<hbm>>
        tpu.enqueue_dma source(%dma_start3A_165 : memref<64x128xi32, #tpu.memory_space<hbm>>) target(%arg5 : memref<64x128xi32, #tpu.memory_space<vmem>>) target_semaphore(%arg11 : memref<!tpu.dma_semaphore, #tpu.memory_space<semaphore_mem>>)
        %dma_start3A_166 = arith.constant 2 : i32
        %dma_start3A_167 = arith.constant 0 : i32
        %dma_start3A_168 = tpu.memref_slice %arg2[%select_n3A, %add3A_151, %dma_start3A_166, %dma_start3A_167, %mul3A_32] : memref<16x48x3x64x256xi32, #tpu.memory_space<hbm>> -> memref<1x1x1x64x128xi32, #tpu.memory_space<hbm>>
        %dma_start3A_169 = tpu.memref_squeeze %dma_start3A_168 : memref<1x1x1x64x128xi32, #tpu.memory_space<hbm>> -> memref<64x128xi32, #tpu.memory_space<hbm>>
        %dma_start3A_170 = arith.constant 0 : i32
        %dma_start3A_171 = tpu.memref_slice %arg2[%select_n3A, %add3A_151, %dma_start3A_166, %dma_start3A_170, %mul3A_32] : memref<16x48x3x64x256xi32, #tpu.memory_space<hbm>> -> memref<1x1x1x64x128xi32, #tpu.memory_space<hbm>>
        %dma_start3A_172 = tpu.memref_squeeze %dma_start3A_171 : memref<1x1x1x64x128xi32, #tpu.memory_space<hbm>> -> memref<64x128xi32, #tpu.memory_space<hbm>>
        tpu.enqueue_dma source(%dma_start3A_172 : memref<64x128xi32, #tpu.memory_space<hbm>>) target(%arg6 : memref<64x128xi32, #tpu.memory_space<vmem>>) target_semaphore(%arg11 : memref<!tpu.dma_semaphore, #tpu.memory_space<semaphore_mem>>)
      } else {
      }
      %add3A_124 = arith.constant 1 : i32
      %add3A_125 = arith.addi %mul3A_75, %add3A_124 : i32
      %dma_wait3A_126 = arith.constant 0 : i32
      %dma_wait3A_127 = arith.constant 0 : i32
      %dma_wait3A_128 = tpu.memref_slice %arg2[%select_n3A, %add3A_125, %dma_wait3A_126, %dma_wait3A_127, %mul3A_32] : memref<16x48x3x64x256xi32, #tpu.memory_space<hbm>> -> memref<1x1x1x64x128xi32, #tpu.memory_space<hbm>>
      %dma_wait3A_129 = tpu.memref_squeeze %dma_wait3A_128 : memref<1x1x1x64x128xi32, #tpu.memory_space<hbm>> -> memref<64x128xi32, #tpu.memory_space<hbm>>
      %dma_wait3A_130 = arith.constant 0 : i32
      %dma_wait3A_131 = tpu.memref_slice %arg2[%select_n3A, %add3A_125, %dma_wait3A_126, %dma_wait3A_130, %mul3A_32] : memref<16x48x3x64x256xi32, #tpu.memory_space<hbm>> -> memref<1x1x1x64x128xi32, #tpu.memory_space<hbm>>
      %dma_wait3A_132 = tpu.memref_squeeze %dma_wait3A_131 : memref<1x1x1x64x128xi32, #tpu.memory_space<hbm>> -> memref<64x128xi32, #tpu.memory_space<hbm>>
      tpu.wait_dma2 semaphore(%arg12 : memref<!tpu.dma_semaphore, #tpu.memory_space<semaphore_mem>>) src(%dma_wait3A_132 : memref<64x128xi32, #tpu.memory_space<hbm>>) dst(%arg7 : memref<64x128xi32, #tpu.memory_space<vmem>>)
      %dma_wait3A_133 = arith.constant 1 : i32
      %dma_wait3A_134 = arith.constant 0 : i32
      %dma_wait3A_135 = tpu.memref_slice %arg2[%select_n3A, %add3A_125, %dma_wait3A_133, %dma_wait3A_134, %mul3A_32] : memref<16x48x3x64x256xi32, #tpu.memory_space<hbm>> -> memref<1x1x1x64x128xi32, #tpu.memory_space<hbm>>
      %dma_wait3A_136 = tpu.memref_squeeze %dma_wait3A_135 : memref<1x1x1x64x128xi32, #tpu.memory_space<hbm>> -> memref<64x128xi32, #tpu.memory_space<hbm>>
      %dma_wait3A_137 = arith.constant 0 : i32
      %dma_wait3A_138 = tpu.memref_slice %arg2[%select_n3A, %add3A_125, %dma_wait3A_133, %dma_wait3A_137, %mul3A_32] : memref<16x48x3x64x256xi32, #tpu.memory_space<hbm>> -> memref<1x1x1x64x128xi32, #tpu.memory_space<hbm>>
      %dma_wait3A_139 = tpu.memref_squeeze %dma_wait3A_138 : memref<1x1x1x64x128xi32, #tpu.memory_space<hbm>> -> memref<64x128xi32, #tpu.memory_space<hbm>>
      tpu.wait_dma2 semaphore(%arg12 : memref<!tpu.dma_semaphore, #tpu.memory_space<semaphore_mem>>) src(%dma_wait3A_139 : memref<64x128xi32, #tpu.memory_space<hbm>>) dst(%arg8 : memref<64x128xi32, #tpu.memory_space<vmem>>)
      %dma_wait3A_140 = arith.constant 2 : i32
      %dma_wait3A_141 = arith.constant 0 : i32
      %dma_wait3A_142 = tpu.memref_slice %arg2[%select_n3A, %add3A_125, %dma_wait3A_140, %dma_wait3A_141, %mul3A_32] : memref<16x48x3x64x256xi32, #tpu.memory_space<hbm>> -> memref<1x1x1x64x128xi32, #tpu.memory_space<hbm>>
      %dma_wait3A_143 = tpu.memref_squeeze %dma_wait3A_142 : memref<1x1x1x64x128xi32, #tpu.memory_space<hbm>> -> memref<64x128xi32, #tpu.memory_space<hbm>>
      %dma_wait3A_144 = arith.constant 0 : i32
      %dma_wait3A_145 = tpu.memref_slice %arg2[%select_n3A, %add3A_125, %dma_wait3A_140, %dma_wait3A_144, %mul3A_32] : memref<16x48x3x64x256xi32, #tpu.memory_space<hbm>> -> memref<1x1x1x64x128xi32, #tpu.memory_space<hbm>>
      %dma_wait3A_146 = tpu.memref_squeeze %dma_wait3A_145 : memref<1x1x1x64x128xi32, #tpu.memory_space<hbm>> -> memref<64x128xi32, #tpu.memory_space<hbm>>
      tpu.wait_dma2 semaphore(%arg12 : memref<!tpu.dma_semaphore, #tpu.memory_space<semaphore_mem>>) src(%dma_wait3A_146 : memref<64x128xi32, #tpu.memory_space<hbm>>) dst(%arg9 : memref<64x128xi32, #tpu.memory_space<vmem>>)
      %parallel_loop3A_147 = arith.constant 0 : i32
      %parallel_loop3A_148 = arith.constant 512 : i32
      %parallel_loop3A_149 = arith.constant 1 : i32
      scf.for %parallel_loop3A_150 = %parallel_loop3A_147 to %parallel_loop3A_148 step %parallel_loop3A_149  : i32 {
        %parallel_loop3A_151 = arith.constant 3 : i32
        %parallel_loop3A_152 = arith.shrsi %parallel_loop3A_150, %parallel_loop3A_151 : i32
        %parallel_loop3A_153 = arith.constant 7 : i32
        %parallel_loop3A_154 = arith.andi %parallel_loop3A_150, %parallel_loop3A_153 : i32
        %parallel_loop3A_155 = arith.constant 16 : i32
        %parallel_loop3A_156 = arith.muli %parallel_loop3A_154, %parallel_loop3A_155 : i32
        %parallel_loop3A_157 = vector.broadcast %parallel_loop3A_156 : i32 to vector<16xi32>
        %parallel_loop3A_158 = arith.addi %parallel_loop3A_157, %iota3A : vector<16xi32>
        %parallel_loop3A_159 = arith.index_cast %parallel_loop3A_152 : i32 to index
        %parallel_loop3A_160 = arith.index_cast %parallel_loop3A_156 : i32 to index
        %parallel_loop3A_161 = tpu.vector_load %arg7[%parallel_loop3A_159, %parallel_loop3A_160] {strides = array<i32>} : memref<64x128xi32, #tpu.memory_space<vmem>>, vector<16xi32>,
        %parallel_loop3A_162 = arith.index_cast %parallel_loop3A_152 : i32 to index
        %parallel_loop3A_163 = arith.index_cast %parallel_loop3A_156 : i32 to index
        %parallel_loop3A_164 = tpu.vector_load %arg8[%parallel_loop3A_162, %parallel_loop3A_163] {strides = array<i32>} : memref<64x128xi32, #tpu.memory_space<vmem>>, vector<16xi32>,
        %parallel_loop3A_165 = arith.index_cast %parallel_loop3A_152 : i32 to index
        %parallel_loop3A_166 = arith.index_cast %parallel_loop3A_156 : i32 to index
        %parallel_loop3A_167 = tpu.vector_load %arg9[%parallel_loop3A_165, %parallel_loop3A_166] {strides = array<i32>} : memref<64x128xi32, #tpu.memory_space<vmem>>, vector<16xi32>,
        %parallel_loop3A_168 = arith.constant 5 : i32
        %parallel_loop3A_169 = vector.broadcast %parallel_loop3A_168 : i32 to vector<16xi32>
        %parallel_loop3A_170 = arith.shrsi %parallel_loop3A_161, %parallel_loop3A_169 : vector<16xi32>
        %parallel_loop3A_171 = arith.constant 6 : i32
        %parallel_loop3A_172 = vector.broadcast %parallel_loop3A_171 : i32 to vector<16xi32>
        %parallel_loop3A_173 = arith.shli %parallel_loop3A_170, %parallel_loop3A_172 : vector<16xi32>
        %parallel_loop3A_174 = arith.constant 5 : i32
        %parallel_loop3A_175 = vector.broadcast %parallel_loop3A_174 : i32 to vector<16xi32>
        %parallel_loop3A_176 = arith.shrsi %parallel_loop3A_164, %parallel_loop3A_175 : vector<16xi32>
        %parallel_loop3A_177 = arith.constant 3 : i32
        %parallel_loop3A_178 = vector.broadcast %parallel_loop3A_177 : i32 to vector<16xi32>
        %parallel_loop3A_179 = arith.shli %parallel_loop3A_176, %parallel_loop3A_178 : vector<16xi32>
        %parallel_loop3A_180 = arith.addi %parallel_loop3A_173, %parallel_loop3A_179 : vector<16xi32>
        %parallel_loop3A_181 = arith.constant 5 : i32
        %parallel_loop3A_182 = vector.broadcast %parallel_loop3A_181 : i32 to vector<16xi32>
        %parallel_loop3A_183 = arith.shrsi %parallel_loop3A_167, %parallel_loop3A_182 : vector<16xi32>
        %parallel_loop3A_184 = arith.addi %parallel_loop3A_180, %parallel_loop3A_183 : vector<16xi32>
        tpu.vector_store_idx %arg10[%parallel_loop3A_184, %parallel_loop3A_158], %broadcast_in_dim3A_35 {add = true} : memref<512x128xi32, #tpu.memory_space<vmem>>[vector<16xi32>, vector<16xi32>], vector<16xi32>,
      } {sc.loop_unroll_factor = 8 : i64, sc.parallel_access}
    }
    %scan3A_69 = arith.constant 24 : i32
    %mul3A_70 = arith.constant 256 : i32
    %mul3A_71 = arith.muli %select_n3A, %mul3A_70 : i32
    %add3A_72 = arith.addi %mul3A_71, %mul3A_32 : i32
    "tpu.region"() ({
      %run_scoped3A = tpu.sem_alloc : memref<!tpu.dma_semaphore, #tpu.memory_space<semaphore_mem>>
      %dma_start3A_73 = arith.constant 0 : i32
      %dma_start3A_74 = tpu.memref_slice %arg3[%dma_start3A_73, %add3A_72] : memref<512x4096xi32, #tpu.memory_space<hbm>> -> memref<512x128xi32, #tpu.memory_space<hbm>>
      %dma_start3A_75 = arith.constant 0 : i32
      %dma_start3A_76 = tpu.memref_slice %arg3[%dma_start3A_75, %add3A_72] : memref<512x4096xi32, #tpu.memory_space<hbm>> -> memref<512x128xi32, #tpu.memory_space<hbm>>
      tpu.enqueue_dma source(%arg10 : memref<512x128xi32, #tpu.memory_space<vmem>>) target(%dma_start3A_76 : memref<512x128xi32, #tpu.memory_space<hbm>>) target_semaphore(%run_scoped3A : memref<!tpu.dma_semaphore, #tpu.memory_space<semaphore_mem>>)
      %dma_wait3A = arith.constant 0 : i32
      %dma_wait3A_77 = tpu.memref_slice %arg3[%dma_wait3A, %add3A_72] : memref<512x4096xi32, #tpu.memory_space<hbm>> -> memref<512x128xi32, #tpu.memory_space<hbm>>
      %dma_wait3A_78 = arith.constant 0 : i32
      %dma_wait3A_79 = tpu.memref_slice %arg3[%dma_wait3A_78, %add3A_72] : memref<512x4096xi32, #tpu.memory_space<hbm>> -> memref<512x128xi32, #tpu.memory_space<hbm>>
      tpu.wait_dma2 semaphore(%run_scoped3A : memref<!tpu.dma_semaphore, #tpu.memory_space<semaphore_mem>>) src(%arg10 : memref<512x128xi32, #tpu.memory_space<vmem>>) dst(%dma_wait3A_79 : memref<512x128xi32, #tpu.memory_space<hbm>>)
      tpu.yield
    }) : () -> ()
    return
  }
}

module attributes {stable_mosaic.version = 14 : i64} {
  func.func @_tc_dense_body(%arg0: i32, %arg1: memref<512x512xi32, #tpu.memory_space<vmem>>, %arg2: memref<384x128xf32, #tpu.memory_space<vmem>>, %arg3: memref<1x128xf32, #tpu.memory_space<vmem>>, %arg4: memref<2x256x128xf32, #tpu.memory_space<vmem>>) attributes {dimension_semantics = [#tpu.dimension_semantics<arbitrary>], iteration_bounds = array<i64: 8>, scalar_prefetch = 0 : i64, scratch_operands = 0 : i64, tpu.core_type = #tpu.core_type<tc>, window_params = [{transform_indices = @transform_0, window_bounds = array<i64: 512, 512>}, {pipeline_mode = #tpu.pipeline_mode<synchronous>, transform_indices = @transform_1, window_bounds = array<i64: 384, 128>}, {pipeline_mode = #tpu.pipeline_mode<synchronous>, transform_indices = @transform_2, window_bounds = array<i64: 1, 128>}, {transform_indices = @transform_3, window_bounds = array<i64: 2, 256, 128>}]} {
    %iota3A = tpu.iota {dimensions = array<i32: 0>} : vector<384x384xi32>
    %iota3A_0 = tpu.iota {dimensions = array<i32: 1>} : vector<384x384xi32>
    %add3A = arith.addi %iota3A, %iota3A_0 : vector<384x384xi32>
    %eq3A = arith.constant 383 : i32
    %eq3A_1 = vector.broadcast %eq3A : i32 to vector<384x384xi32>
    %eq3A_2 = arith.cmpi eq, %add3A, %eq3A_1 : vector<384x384xi32>
    %jit3A = arith.constant 1.000000e+00 : f32
    %jit3A_3 = arith.constant 0.000000e+00 : f32
    %broadcast_in_dim3A = vector.broadcast %jit3A : f32 to vector<384x384xf32>
    %broadcast_in_dim3A_4 = vector.broadcast %jit3A_3 : f32 to vector<384x384xf32>
    %select_n3A = arith.select %eq3A_2, %broadcast_in_dim3A, %broadcast_in_dim3A_4 : vector<384x384xi1>, vector<384x384xf32>
    %broadcast_in_dim3A_5 = arith.constant 0.000000e+00 : f32
    %broadcast_in_dim3A_6 = vector.broadcast %broadcast_in_dim3A_5 : f32 to vector<256x50xf32>
    %broadcast_in_dim3A_7 = arith.constant 0.000000e+00 : f32
    %broadcast_in_dim3A_8 = vector.broadcast %broadcast_in_dim3A_7 : f32 to vector<256x78xf32>
    %get3A = arith.constant 0 : index
    %get3A_9 = arith.constant 0 : index
    %get3A_10 = vector.load %arg1[%get3A, %get3A_9] : memref<512x512xi32, #tpu.memory_space<vmem>>, vector<512x256xi32>
    %convert_element_type3A = arith.sitofp %get3A_10 : vector<512x256xi32> to vector<512x256xf32>
    %mul3A = arith.mulf %convert_element_type3A, %convert_element_type3A : vector<512x256xf32>
    %reduce_sum3A = arith.constant dense<0.000000e+00> : vector<256xf32>
    %reduce_sum3A_11 = vector.multi_reduction <add>, %mul3A, %reduce_sum3A [0] : vector<512x256xf32> to vector<256xf32>
    %broadcast_in_dim3A_12 = vector.shape_cast %reduce_sum3A_11 : vector<256xf32> to vector<1x256xf32>
    %rsqrt3A = math.rsqrt %broadcast_in_dim3A_12 : vector<1x256xf32>
    %mul3A_13 = vector.broadcast %rsqrt3A : vector<1x256xf32> to vector<512x256xf32>
    %mul3A_14 = arith.mulf %convert_element_type3A, %mul3A_13 : vector<512x256xf32>
    %dot_general3A = arith.constant dense<0.000000e+00> : vector<256x256xf32>
    %dot_general3A_15 = tpu.matmul %mul3A_14, %mul3A_14, %dot_general3A {dimension_numbers = #tpu.dot_dimension_numbers<[0], [0], [1], [1], [0, 1, 1, 1], [], []>, transpose_lhs_hint = false} : vector<512x256xf32>, vector<512x256xf32>, vector<256x256xf32> -> vector<256x256xf32>
    %concatenate3A = tpu.concatenate %broadcast_in_dim3A_6, %dot_general3A_15, %broadcast_in_dim3A_8 in 1 : vector<256x50xf32>, vector<256x256xf32>, vector<256x78xf32> -> vector<256x384xf32>
    %dot_general3A_16 = arith.constant dense<0.000000e+00> : vector<256x384xf32>
    %dot_general3A_17 = tpu.matmul %concatenate3A, %select_n3A, %dot_general3A_16 {dimension_numbers = #tpu.dot_dimension_numbers<[1], [0], [0], [1], [0, 0, 1, 1], [], []>, transpose_lhs_hint = false} : vector<256x384xf32>, vector<384x384xf32>, vector<256x384xf32> -> vector<256x384xf32>
    %roll3A = arith.constant 0 : i32
    %roll3A_18 = tpu.dynamic_rotate %dot_general3A_17 by %roll3A dim 1 {stride = 1 : si32, stride_dimension = 0 : si32} : vector<256x384xf32>, i32 -> vector<256x384xf32>
    %get3A_19 = arith.constant 0 : index
    %get3A_20 = arith.constant 0 : index
    %get3A_21 = vector.load %arg2[%get3A_19, %get3A_20] : memref<384x128xf32, #tpu.memory_space<vmem>>, vector<384x128xf32>
    %dot_general3A_22 = arith.constant dense<0.000000e+00> : vector<256x128xf32>
    %dot_general3A_23 = tpu.matmul %roll3A_18, %get3A_21, %dot_general3A_22 {dimension_numbers = #tpu.dot_dimension_numbers<[1], [0], [0], [1], [0, 0, 1, 1], [], []>, transpose_lhs_hint = false} : vector<256x384xf32>, vector<384x128xf32>, vector<256x128xf32> -> vector<256x128xf32>
    %get3A_24 = arith.constant 0 : index
    %get3A_25 = arith.constant 0 : index
    %get3A_26 = vector.load %arg3[%get3A_24, %get3A_25] : memref<1x128xf32, #tpu.memory_space<vmem>>, vector<1x128xf32>
    %get3A_27 = vector.shape_cast %get3A_26 : vector<1x128xf32> to vector<128xf32>
    %broadcast_in_dim3A_28 = vector.shape_cast %get3A_27 : vector<128xf32> to vector<1x128xf32>
    %add3A_29 = vector.broadcast %broadcast_in_dim3A_28 : vector<1x128xf32> to vector<256x128xf32>
    %add3A_30 = arith.addf %dot_general3A_23, %add3A_29 : vector<256x128xf32>
    %max3A = arith.constant 0.000000e+00 : f32
    %max3A_31 = vector.broadcast %max3A : f32 to vector<256x128xf32>
    %max3A_32 = arith.maximumf %add3A_30, %max3A_31 : vector<256x128xf32>
    %swap3A = arith.constant 0 : index
    %swap3A_33 = arith.constant 0 : index
    %swap3A_34 = arith.constant 0 : index
    %swap3A_35 = vector.load %arg4[%swap3A, %swap3A_33, %swap3A_34] : memref<2x256x128xf32, #tpu.memory_space<vmem>>, vector<1x256x128xf32>
    %swap3A_36 = vector.shape_cast %swap3A_35 : vector<1x256x128xf32> to vector<256x128xf32>
    %swap3A_37 = vector.shape_cast %max3A_32 : vector<256x128xf32> to vector<1x256x128xf32>
    tpu.vector_store %arg4[%swap3A, %swap3A_33, %swap3A_34], %swap3A_37 {strides = array<i32>} : memref<2x256x128xf32, #tpu.memory_space<vmem>>, vector<1x256x128xf32>,
    %get3A_38 = arith.constant 0 : index
    %get3A_39 = arith.constant 256 : index
    %get3A_40 = vector.load %arg1[%get3A_38, %get3A_39] : memref<512x512xi32, #tpu.memory_space<vmem>>, vector<512x256xi32>
    %convert_element_type3A_41 = arith.sitofp %get3A_40 : vector<512x256xi32> to vector<512x256xf32>
    %mul3A_42 = arith.mulf %convert_element_type3A_41, %convert_element_type3A_41 : vector<512x256xf32>
    %reduce_sum3A_43 = arith.constant dense<0.000000e+00> : vector<256xf32>
    %reduce_sum3A_44 = vector.multi_reduction <add>, %mul3A_42, %reduce_sum3A_43 [0] : vector<512x256xf32> to vector<256xf32>
    %broadcast_in_dim3A_45 = vector.shape_cast %reduce_sum3A_44 : vector<256xf32> to vector<1x256xf32>
    %rsqrt3A_46 = math.rsqrt %broadcast_in_dim3A_45 : vector<1x256xf32>
    %mul3A_47 = vector.broadcast %rsqrt3A_46 : vector<1x256xf32> to vector<512x256xf32>
    %mul3A_48 = arith.mulf %convert_element_type3A_41, %mul3A_47 : vector<512x256xf32>
    %dot_general3A_49 = arith.constant dense<0.000000e+00> : vector<256x256xf32>
    %dot_general3A_50 = tpu.matmul %mul3A_48, %mul3A_48, %dot_general3A_49 {dimension_numbers = #tpu.dot_dimension_numbers<[0], [0], [1], [1], [0, 1, 1, 1], [], []>, transpose_lhs_hint = false} : vector<512x256xf32>, vector<512x256xf32>, vector<256x256xf32> -> vector<256x256xf32>
    %concatenate3A_51 = tpu.concatenate %broadcast_in_dim3A_6, %dot_general3A_50, %broadcast_in_dim3A_8 in 1 : vector<256x50xf32>, vector<256x256xf32>, vector<256x78xf32> -> vector<256x384xf32>
    %dot_general3A_52 = arith.constant dense<0.000000e+00> : vector<256x384xf32>
    %dot_general3A_53 = tpu.matmul %concatenate3A_51, %select_n3A, %dot_general3A_52 {dimension_numbers = #tpu.dot_dimension_numbers<[1], [0], [0], [1], [0, 0, 1, 1], [], []>, transpose_lhs_hint = false} : vector<256x384xf32>, vector<384x384xf32>, vector<256x384xf32> -> vector<256x384xf32>
    %roll3A_54 = arith.constant 0 : i32
    %roll3A_55 = tpu.dynamic_rotate %dot_general3A_53 by %roll3A_54 dim 1 {stride = 1 : si32, stride_dimension = 0 : si32} : vector<256x384xf32>, i32 -> vector<256x384xf32>
    %get3A_56 = arith.constant 0 : index
    %get3A_57 = arith.constant 0 : index
    %get3A_58 = vector.load %arg2[%get3A_56, %get3A_57] : memref<384x128xf32, #tpu.memory_space<vmem>>, vector<384x128xf32>
    %dot_general3A_59 = arith.constant dense<0.000000e+00> : vector<256x128xf32>
    %dot_general3A_60 = tpu.matmul %roll3A_55, %get3A_58, %dot_general3A_59 {dimension_numbers = #tpu.dot_dimension_numbers<[1], [0], [0], [1], [0, 0, 1, 1], [], []>, transpose_lhs_hint = false} : vector<256x384xf32>, vector<384x128xf32>, vector<256x128xf32> -> vector<256x128xf32>
    %get3A_61 = arith.constant 0 : index
    %get3A_62 = arith.constant 0 : index
    %get3A_63 = vector.load %arg3[%get3A_61, %get3A_62] : memref<1x128xf32, #tpu.memory_space<vmem>>, vector<1x128xf32>
    %get3A_64 = vector.shape_cast %get3A_63 : vector<1x128xf32> to vector<128xf32>
    %broadcast_in_dim3A_65 = vector.shape_cast %get3A_64 : vector<128xf32> to vector<1x128xf32>
    %add3A_66 = vector.broadcast %broadcast_in_dim3A_65 : vector<1x128xf32> to vector<256x128xf32>
    %add3A_67 = arith.addf %dot_general3A_60, %add3A_66 : vector<256x128xf32>
    %max3A_68 = arith.constant 0.000000e+00 : f32
    %max3A_69 = vector.broadcast %max3A_68 : f32 to vector<256x128xf32>
    %max3A_70 = arith.maximumf %add3A_67, %max3A_69 : vector<256x128xf32>
    %swap3A_71 = arith.constant 1 : index
    %swap3A_72 = arith.constant 0 : index
    %swap3A_73 = arith.constant 0 : index
    %swap3A_74 = vector.load %arg4[%swap3A_71, %swap3A_72, %swap3A_73] : memref<2x256x128xf32, #tpu.memory_space<vmem>>, vector<1x256x128xf32>
    %swap3A_75 = vector.shape_cast %swap3A_74 : vector<1x256x128xf32> to vector<256x128xf32>
    %swap3A_76 = vector.shape_cast %max3A_70 : vector<256x128xf32> to vector<1x256x128xf32>
    tpu.vector_store %arg4[%swap3A_71, %swap3A_72, %swap3A_73], %swap3A_76 {strides = array<i32>} : memref<2x256x128xf32, #tpu.memory_space<vmem>>, vector<1x256x128xf32>,
    return
  }
  func.func @transform_0(%arg0: i32) -> (i32, i32) {
    %c0_i32 = arith.constant 0 : i32
    %c0_i32_0 = arith.constant 0 : i32
    return %c0_i32, %arg0 : i32, i32
  }
  func.func @transform_1(%arg0: i32) -> (i32, i32) {
    %c0_i32 = arith.constant 0 : i32
    %c0_i32_0 = arith.constant 0 : i32
    %c0_i32_1 = arith.constant 0 : i32
    return %c0_i32, %c0_i32_0 : i32, i32
  }
  func.func @transform_2(%arg0: i32) -> (i32, i32) {
    %c0_i32 = arith.constant 0 : i32
    %c0_i32_0 = arith.constant 0 : i32
    %c0_i32_1 = arith.constant 0 : i32
    return %c0_i32, %c0_i32_0 : i32, i32
  }
  func.func @transform_3(%arg0: i32) -> (i32, i32, i32) {
    %c0_i32 = arith.constant 0 : i32
    %c0_i32_0 = arith.constant 0 : i32
    %c0_i32_1 = arith.constant 0 : i32
    return %arg0, %c0_i32, %c0_i32_0 : i32, i32, i32
  }
}

</mosaic_0001>

<sc_bundles>
// kernel: kernel.4.cloned.1.call-start
scs
__scs_entry_jumppad:
0x0: {  	(pc) =	sbr.rel $0x88, $3  }
0x1: {  	(tag) =	ssettag $0x0;
	lr =	simm.s32 $0x1  }
0x2: {  	[smem:$0x3F9E] =	sst lr;
	_ =	strace $0xD0000000  }
0x3: {  	_ = 	snop  }
0x4: {  	_ = 	snop  }
0x5: {  	_ = 	snop  }
0x6: {  	_ = 	snop  }
0x7: {  	_ = 	snop  }
__scs_overlays_trampoline_lowered:
0x8: {  	[smem:$0x3FAD] =	sst s0  }
0x9: {  	[smem:$0x3FAE] =	sst s1  }
0xa: {  	[smem:$0x3FAF] =	sst s2  }
0xb: {  	[smem:$0x3FB0] =	sst s3  }
0xc: {  	[smem:$0x3FB1] =	sst s4  }
0xd: {  	[smem:$0x3FB2] =	sst s5  }
0xe: {  	[smem:$0x3FB3] =	sst s6  }
0xf: {  	[smem:$0x3FB4] =	sst s7  }
0x10: {  	[smem:$0x3FB5] =	sst s8  }
0x11: {  	[smem:$0x3FB6] =	sst s9;
	s0 =	simm.s32 @!p0 $0x0  }
0x12: {  	s1 =	sld [smem:$0x3F9C];
	s0 =	simm.s32 @p0 $0x1  }
0x13: {  	[smem:$0x3FB7] =	sst s0;
	s0 =	simm.s32 @!p1 $0x0  }
0x14: {  	s2 =	sld [smem:$0x3F9B];
	s0 =	simm.s32 @p1 $0x1  }
0x15: {  	[smem:$0x3FB8] =	sst s0;
	s0 =	simm.s32 @!p2 $0x0  }
0x16: {  	s3 =	sld [smem:$0x3FDB];
	s0 =	simm.s32 @p2 $0x1  }
0x17: {  	s4 =	simm.s32 $0x1BF5;
	[smem:$0x3FBA] =	sst s0  }
0x18: {  	s0 =	sld [smem:$0x3F9D];
	_ =	swait.ge [sflag:s4], $0x0  }
0x19: {  	s7 =	sld [smem:$0x3F9E]  }
0x1a: {  	s8 =	sadd.s32 $0xFFFFE003, lr  }
0x1b: {  	s9 =	sadd.s32 $0xFFFFFEF7, lr;
	s5 =	simm.s32 $0xFFFFFFFF;
	p2 =	slt.u32 s8, $0xFFFFF086  }
0x1c: {  	p1 =	slt.u32 s9, $0xF7A;
	s5 =	simm.s32 @!p2 $0x0  }
0x1d: {  	s5 =	simm.s32 @p1 $0x1;
	p0 =	seq.s32 s7, s2  }
0x1e: {  	s7 =	smul.u32 @!p0 $0xF7A, s2;
	p2 =	seq.s32 @!p0 s5, $0x0  }
0x1f: {  	s9 =	smul.u32 $0xF7A, s1;
	s8 =	simm.s32 @!p0 $0x1BF5;
	p2 =	por !p2, p0  }
0x20: {  	[sflag:s8] =	ssyncset.s32 @!p0 $0xFFFFF086;
	s6 =	sadd.s32 @!p0 s3, s7;
	s7 =	simm.s32 @!p0 $0x108  }
0x21: {  	s3 =	sadd.s32 s3, s9;
	s6 =	sadd.s32 @!p0 $0x88, s6;
	s7 =	simm.s32 @p2 $0x1082  }
0x22: {  	[simem:s7], [sflag:s8] =	dma.local @!p0 [hbm:s6], $0xF7A  }
0x23: {  	s9 =	sor.u32 $0xD0000000, s2;
	s6 =	simm.s32 $0x108;
	_ =	swait.ge @!p0 [sflag:s8], $0x0  }
0x24: {  	s3 =	sadd.s32 $0x88, s3;
	s6 =	simm.s32 @!p1 $0x1082;
	[sflag:s4] =	ssyncset.s32 $0xFFFFF086  }
0x25: {  	[simem:s6], [sflag:s4] =	dma.local [hbm:s3], $0xF7A  }
0x26: {  	[smem:$0x3F9E] =	sst s1;
	(tag) =	ssettag s2;
	_ =	strace s9  }
0x27: {  	s1 =	sld [smem:$0x3FAE]  }
0x28: {  	s2 =	sld [smem:$0x3FAF]  }
0x29: {  	s4 =	sld [smem:$0x3FB1]  }
0x2a: {  	p0 =	seq.s32 s5, $0x0;
	s5 =	sld [smem:$0x3FB2]  }
0x2b: {  	s6 =	sld [smem:$0x3FB3]  }
0x2c: {  	s7 =	sld [smem:$0x3FB4]  }
0x2d: {  	s3 =	simm.s32 $0x108;
	s8 =	sld [smem:$0x3FB5]  }
0x2e: {  	s3 =	simm.s32 @!p0 $0x1082;
	s9 =	sld [smem:$0x3FB6]  }
0x2f: {  	lr =	sadd.s32 s0, s3;
	s0 =	sld [smem:$0x3FAD]  }
0x30: {  	s3 =	sld [smem:$0x3FB0]  }
0x31: {  	[smem:$0x3FB9] =	sst s10  }
0x32: {  	s10 =	sld [smem:$0x3FB7];
	_ =	sdelay $0x3  }
0x33: {  	p0 =	seq.s32 s10, $0x1;
	s10 =	sld [smem:$0x3FB9];
	_ =	sdelay $0x3  }
0x34: {  	[smem:$0x3FB9] =	sst s10  }
0x35: {  	s10 =	sld [smem:$0x3FB8];
	_ =	sdelay $0x3  }
0x36: {  	p1 =	seq.s32 s10, $0x1;
	s10 =	sld [smem:$0x3FB9];
	_ =	sdelay $0x3  }
0x37: {  	[smem:$0x3FB9] =	sst s10  }
0x38: {  	s10 =	sld [smem:$0x3FBA]  }
0x39: {  	_ = 	snop;
	(pc) =	sbr.ind lr, $3  }
0x3a: {  	_ = 	snop  }
0x3b: {  	_ = 	snop  }
0x3c: {  	p2 =	seq.s32 s10, $0x1;
	s10 =	sld [smem:$0x3FB9]  }
0x3d: {  	_ =	shalt  }
0x3e: {  	_ =	shalt  }
0x3f: {  	_ =	shalt  }
0x40: {  	_ =	shalt  }
0x41: {  	_ =	shalt  }
0x42: {  	_ =	shalt  }
0x43: {  	_ =	shalt  }
0x44: {  	_ =	shalt  }
0x45: {  	_ =	shalt  }
0x46: {  	_ =	shalt  }
0x47: {  	_ =	shalt  }
0x48: {  	_ =	shalt  }
0x49: {  	_ =	shalt  }
0x4a: {  	_ =	shalt  }
0x4b: {  	_ =	shalt  }
0x4c: {  	_ =	shalt  }
0x4d: {  	_ =	shalt  }
0x4e: {  	_ =	shalt  }
0x4f: {  	_ =	shalt  }
0x50: {  	_ =	shalt  }
0x51: {  	_ =	shalt  }
0x52: {  	_ =	shalt  }
0x53: {  	_ =	shalt  }
0x54: {  	_ =	shalt  }
0x55: {  	_ =	shalt  }
0x56: {  	_ =	shalt  }
0x57: {  	_ =	shalt  }
0x58: {  	_ =	shalt  }
0x59: {  	_ =	shalt  }
0x5a: {  	_ =	shalt  }
0x5b: {  	_ =	shalt  }
0x5c: {  	_ =	shalt  }
0x5d: {  	_ =	shalt  }
0x5e: {  	_ =	shalt  }
0x5f: {  	_ =	shalt  }
0x60: {  	_ =	shalt  }
0x61: {  	_ =	shalt  }
0x62: {  	_ =	shalt  }
0x63: {  	_ =	shalt  }
0x64: {  	_ =	shalt  }
0x65: {  	_ =	shalt  }
0x66: {  	_ =	shalt  }
0x67: {  	_ =	shalt  }
0x68: {  	_ =	shalt  }
0x69: {  	_ =	shalt  }
0x6a: {  	_ =	shalt  }
0x6b: {  	_ =	shalt  }
0x6c: {  	_ =	shalt  }
0x6d: {  	_ =	shalt  }
0x6e: {  	_ =	shalt  }
0x6f: {  	_ =	shalt  }
0x70: {  	_ =	shalt  }
0x71: {  	_ =	shalt  }
0x72: {  	_ =	shalt  }
0x73: {  	_ =	shalt  }
0x74: {  	_ =	shalt  }
0x75: {  	_ =	shalt  }
0x76: {  	_ =	shalt  }
0x77: {  	_ =	shalt  }
0x78: {  	_ =	shalt  }
0x79: {  	_ =	shalt  }
0x7a: {  	_ =	shalt  }
0x7b: {  	_ =	shalt  }
0x7c: {  	_ =	shalt  }
0x7d: {  	_ =	shalt  }
0x7e: {  	_ =	shalt  }
0x7f: {  	_ =	shalt  }
0x80: {  	_ =	shalt  }
0x81: {  	_ =	shalt  }
0x82: {  	_ =	shalt  }
0x83: {  	_ =	shalt  }
0x84: {  	_ =	shalt  }
0x85: {  	_ =	shalt  }
0x86: {  	_ =	shalt  }
0x87: {  	_ =	shalt  }
.Lfunc_end0:
.L_simem_size_0:
called_computation_lowered:
.L_overlay_start_0:
0x88: {  	s2 =	sld [smem:$0x3FD9]  }
0x89: {  	s3 =	sld [smem:$0x3FFE];
	_ =	sdelay $0x1  }
0x8a: {  	s1 =	srdreg.scid  }
0x8b: {  	s0 =	sand.u32 $0x1, s1  }
0x8c: {  	s17 =	sshll.u32 s0, $0xA;
	s2 =	sadd.s32 s3, s2  }
0x8d: {  	s2 =	sadd.s32 s2, s17  }
0x8e: {  	[smem:$0x3FC5] =	sst s2  }
0x8f: {  	_ = 	snop  }
0x90: {  	s2 =	sld [smem:$0x3FC9];
	(tm) =	ssettm $0x1  }
0x91: {  	s18 =	sld [smem:$0x3FFB];
	_ =	sdelay $0x3  }
0x92: {  	_ =	strace s18  }
0x93: {  	s3 =	sld [smem:$0x3FFC];
	_ =	sdelay $0x3  }
0x94: {  	_ =	strace s3  }
0x95: {  	s3 =	sld [smem:$0x3FFD];
	_ =	sdelay $0x3  }
0x96: {  	_ =	strace s3  }
0x97: {  	_ =	strace $0x8FFFFFFF  }
0x98: {  	s19 =	sld [smem:$0x3FDB];
	_ =	sdelay $0x1  }
0x99: {  	s4 =	simm.s32 $_scs_section_size  }
0x9a: {  	s5 =	simm.s32 $_size__tile_overlayer_lowered;
	s6 =	simm.s32 $_tile_overlayer_lowered  }
0x9b: {  	s22 =	simm.s32 $0x1BFF;
	s21 =	sshll.u32 s6, $0x1;
	s3 =	sadd.s32 s4, s19  }
0x9c: {  	s7 =	simm.s32 $0x0;
	s20 =	sshll.u32 s5, $0x1;
	s5 =	sadd.s32 s21, s3  }
0x9d: {  	[timem:s7], [sflag:s22] =	dma.local [hbm:s5], s20  }
0x9e: {  	_ =	swait.ge [sflag:s22], s20  }
0x9f: {  	s4 =	ssub.s32 $0x0, s20;
	[sflag:s22] =	ssyncset.done $0x0  }
0xa0: {  	[sflag:s22] =	ssyncadd.s32 s4;
	_ =	sdelay $0x1  }
0xa1: {  	s23 =	simm.s32 $0x1B8B  }
0xa2: {  	_ =	swait.ge [sflag:s23], $0x1  }
0xa3: {  	[sflag:s23] =	ssyncset.done $0x0  }
0xa4: {  	s25 =	simm.s32 $0x1B8E;
	s24 =	sld [smem:$0x3FFE];
	[sflag:s23] =	ssyncadd.s32 $0xFFFFFFFF  }
0xa5: {  	s26 =	simm.s32 $execute0_lowered;
	[smem:$0x3FD2] =	sst s25  }
0xa6: {  	s5 =	sshll.u32 s26, $0x1;
	_ =	strace $0x80000046;
	[dreg:$0x1] =	wrdreg $0xFFFFFFFF  }
0xa7: {  	s28 =	simm.s32 $_size_execute0_lowered;
	s3 =	sadd.s32 s3, s5;
	[dreg:$0x0] =	wrdreg $0x0  }
0xa8: {  	s5 =	sshll.u32 s28, $0x1;
	[dreg:$0x2] =	wrdreg s3  }
0xa9: {  	[dreg:$0x3] =	wrdreg s5  }
0xaa: {  	[dreg:$0x4] =	wrdreg $0xC0  }
0xab: {  	_ =	task [dreg:s7], $0x5FFFF  }
0xac: {  	[dreg:$0x1] =	wrdreg $0xFFFFFFFF  }
0xad: {  	[dreg:$0x0] =	wrdreg $0x60  }
0xae: {  	[dreg:$0x2] =	wrdreg s2  }
0xaf: {  	[dreg:$0x3] =	wrdreg s24  }
0xb0: {  	[dreg:$0x4] =	wrdreg $0x9  }
0xb1: {  	_ =	task.clear_ibuf [dreg:s7], $0x5FFFF;
	_ =	strace $0x90000046  }
0xb2: {  	s29 =	simm.s32 $0x9;
	_ =	strace $0x80000048  }
0xb3: {  	_ =	swait.ge [sflag:s29], $0x1  }
0xb4: {  	[sflag:s29] =	ssyncadd.s32 $0xFFFFFFFF  }
0xb5: {  	_ =	strace $0x90000048  }
0xb6: {  	_ =	sfence  }
0xb7: {  	s30 =	sld [smem:$0x0];
	_ =	sdelay $0x2  }
0xb8: {  	s31 =	sshll.u32 s1, $0xD;
	s1 =	sshrl.u32 s1, $0x2  }
0xb9: {  	s3 =	sand.u32 $0x4000, s31;
	s1 =	sadd.s32 s1, s30  }
0xba: {  	s0 =	sor.u32 s3, s0;
	s1 =	sshll.u32 s1, $0x11  }
0xbb: {  	s0 =	sor.u32 s1, s0  }
0xbc: {  	s0 =	sadd.s32 $0x8F2B, s0  }
0xbd: {  	[sflag:s0] =	ssyncadd.remote.s32 $0x1  }
0xbe: {  	_ =	sfence.sel $0xFFFF  }
0xbf: {  	[dreg:$0x0] =	wrdreg $0xFFFFFFFF;
	(pc) =	sbr.abs _section_cstart, $3  }
0xc0: {  	[dreg:$0x1] =	wrdreg $0xFFFFFFFF  }
0xc1: {  	_ =	task.clear_ibuf [dreg:s7], $0x2FFFF;
	_ =	strace $0x9FFFFFFF  }
0xc2: {  	(tm) =	ssettm $0x7FFFFFFF  }
0xc3: {  	_ =	shalt  }
tec
execute0_lowered:
.L_overlay_start_1:
0x0: {  	(tag) =	ssettag $0x1  }
0x1: {  	s2 =	rddreg [dreg:$0x0]  }
0x2: {  	s0 =	srdreg.scid;
	s5 =	rddreg [dreg:$0x1];
	s6 =	simm.s32 $0x1  }
0x3: {  	s3 =	simm.s32 $0x0;
	s13 =	simm.s32 $0x400;
	s14 =	simm.s32 $0x800  }
0x4: {  	s15 =	simm.s32 $0x2000;
	s16 =	simm.s32 $0x4000;
	s17 =	simm.s32 $0x6000  }
0x5: {  	s18 =	simm.s32 $0x8000;
	s4 =	sand.u32 $0x1, s0;
	s0 =	stileid.u32  }
0x6: {  	s19 =	simm.s32 $0xA000;
	s20 =	simm.s32 $0xC000;
	s1 =	sor.u32 s4, s0  }
0x7: {  	s21 =	simm.s32 $0x2;
	p1 =	seq.s32 s4, $0x1;
	p0 =	seq.s32 s1, $0x0  }
0x8: {  	s22 =	simm.s32 $0x3;
	s23 =	simm.s32 $0x0;
	p0 =	por !p0, !p1  }
0x9: {  	[smem:$0x7FF] =	sst s3;
	s7 =	ssub.s32 $0x2, s4;
	p0 =	por !p0, !p0  }
0xa: {  	s9 =	sshll.u32 s4, $0x7;
	s4 =	sshll.u32 s4, $0xA;
	s6 =	simm.s32 @!p0 $0x0  }
0xb: {  	s1 =	rddreg [dreg:$0x2];
	s10 =	sshrl.u32 s7, $0x1;
	s6 =	ssub.s32 s0, s6  }
0xc: {  	_ =	strace $0x80000047;
	s12 =	ssub.s32 s7, s10;
	s8 =	smul.u32 $0x240000, s6  }
0xd: {  	s9 =	sadd.s32 s9, s5;
	s12 =	smax.u32 s12, $0x1;
	s31 =	sshll.u32 s6, $0x8  }
0xe: {  	v0 =	vlaneseq.u32;
	s6 =	sadd.s32 $0x800, s2;
	s11 =	sand.u32 $0x1FFFFF00, s31;
	s29 =	sor.u32 s4, s8  }
0xf: {  	v1 =	vimm.s32 $0x0;
	v2 =	vimm.s32 $0x1;
	v3 =	vor.u32 $0x10, v0;
	s4 =	simm.s32 $0x1;
	s11 =	sadd.s32 s11, s9;
	s30 =	sshrl.u32 s29, $0x3  }
0x10: {  	v4 =	vor.u32 $0x20, v0;
	v5 =	vor.u32 $0x30, v0;
	v6 =	vor.u32 $0x40, v0;
	s9 =	sor.u32 $0xC000, s29;
	s10 =	sor.u32 $0x18000, s29;
	s5 =	sadd.s32 s2, s30  }
0x11: {  	v7 =	vor.u32 $0x50, v0;
	v8 =	vor.u32 $0x60, v0;
	v9 =	vor.u32 $0x70, v0;
	s11 =	sadd.s32 $0xA00, s11;
	s7 =	sadd.s32 s30, s6;
	s8 =	sadd.s32 $0x1000, s5  }
.LBB2_1:
0x12: {  	[tilespmem:s3], [sflag:$0x1] =	stream.strided.gather [hbm4b:s5+s13], $0x2000, s14, s13, $0x38;
	[tilespmem:$0x1C000] =	vst v63  }
0x13: {  	_ = 	snop  }
0x14: {  	[tilespmem:s15], [sflag:$0x1] =	stream.strided.gather [hbm4b:s7+s13], $0x2000, s14, s13, $0x38;
	[tilespmem:$0x1C000] =	vst v63  }
0x15: {  	s24 =	simm.s32 $0x0;
	s25 =	simm.s32 $0x200  }
0x16: {  	[tilespmem:s16], [sflag:$0x1] =	stream.strided.gather [hbm4b:s8+s13], $0x2000, s14, s13, $0x38;
	[tilespmem:$0x1C000] =	vst v63  }
.LBB2_2:
0x17: {  	p0 =	sne.s32 s25, $0x3FE00;
	[tilespmem:s24+$0xC070] =	vst v1  }
0x18: {  	[tilespmem:s24+$0xC000] =	vst v1  }
0x19: {  	[tilespmem:s24+$0xC010] =	vst v1  }
.Ltmp0:
0x1a: {  	[tilespmem:s24+$0xC020] =	vst v1;
	(pc) =	sbr.rel @p0 .LBB2_2-.Ltmp0, $4  }
0x1b: {  	[tilespmem:s24+$0xC030] =	vst v1  }
0x1c: {  	[tilespmem:s24+$0xC040] =	vst v1  }
0x1d: {  	[tilespmem:s24+$0xC050] =	vst v1  }
0x1e: {  	[tilespmem:s24+$0xC060] =	vst v1;
	s24 =	sshra.s32 s25, $0x2;
	s25 =	sadd.s32 $0x200, s25  }
0x1f: {  	[tilespmem:s24+$0xC070] =	vst v1  }
0x20: {  	[tilespmem:s24+$0xC000] =	vst v1  }
0x21: {  	[tilespmem:s24+$0xC010] =	vst v1  }
0x22: {  	[tilespmem:s24+$0xC020] =	vst v1  }
0x23: {  	[tilespmem:s24+$0xC030] =	vst v1  }
0x24: {  	[tilespmem:s24+$0xC040] =	vst v1  }
0x25: {  	[tilespmem:s24+$0xC050] =	vst v1  }
0x26: {  	[tilespmem:s24+$0xC060] =	vst v1;
	s24 =	simm.s32 $0x0  }
.LBB2_4:
0x27: {  	s25 =	smul.u32 $0x18000, s24;
	_ =	sdelay $0x1  }
0x28: {  	s26 =	sadd.s32 s25, s9  }
0x29: {  	s28 =	sshrl.u32 s26, $0x3  }
0x2a: {  	s28 =	sadd.s32 s2, s28  }
0x2b: {  	[tilespmem:s17], [sflag:$0x2] =	stream.strided.gather [hbm4b:s28+s13], $0x2000, s14, s13, $0x38;
	[tilespmem:$0x1C000] =	vst v63  }
0x2c: {  	s28 =	sadd.s32 $0x4000, s26  }
0x2d: {  	s26 =	sadd.s32 $0x8000, s26;
	s28 =	sshrl.u32 s28, $0x3  }
0x2e: {  	s26 =	sshrl.u32 s26, $0x3;
	s28 =	sadd.s32 s2, s28  }
0x2f: {  	[tilespmem:s18], [sflag:$0x2] =	stream.strided.gather [hbm4b:s28+s13], $0x2000, s14, s13, $0x38;
	[tilespmem:$0x1C000] =	vst v63  }
0x30: {  	s26 =	sadd.s32 s2, s26  }
0x31: {  	[tilespmem:s19], [sflag:$0x2] =	stream.strided.gather [hbm4b:s26+s13], $0x2000, s14, s13, $0x38;
	[tilespmem:$0x1C000] =	vst v63  }
0x32: {  	_ =	swait.ge [sflag:s4], $0x2000  }
0x33: {  	[sflag:s4] =	ssyncset.done $0x0  }
0x34: {  	[sflag:s4] =	ssyncadd.s32 $0xFFFFE000  }
0x35: {  	_ =	swait.ge [sflag:s4], $0x2000  }
0x36: {  	[sflag:s4] =	ssyncset.done $0x0  }
0x37: {  	[sflag:s4] =	ssyncadd.s32 $0xFFFFE000  }
0x38: {  	_ =	swait.ge [sflag:s4], $0x2000  }
0x39: {  	[sflag:s4] =	ssyncset.done $0x0  }
0x3a: {  	s29 =	simm.s32 $0x40;
	[sflag:s4] =	ssyncadd.s32 $0xFFFFE000  }
0x3b: {  	s26 =	simm.s32 $0x2040;
	v10 =	vld [tilespmem:s29+$0x30]  }
0x3c: {  	v11 =	vld [tilespmem:s26+$0x30]  }
0x3d: {  	s28 =	simm.s32 $0x4040;
	v12 =	vld [tilespmem:s26+$0xFFFFFFC0]  }
0x3e: {  	v13 =	vld [tilespmem:s28+$0x30]  }
0x3f: {  	v14 =	vld [tilespmem:s29+$0xFFFFFFD0]  }
0x40: {  	v15 =	vld [tilespmem:s26+$0xFFFFFFD0]  }
0x41: {  	v16 =	vld [tilespmem:s29+$0xFFFFFFE0]  }
0x42: {  	v17 =	vld [tilespmem:s26+$0xFFFFFFE0]  }
0x43: {  	v18 =	vld [tilespmem:s29+$0xFFFFFFF0]  }
0x44: {  	v19 =	vld [tilespmem:s26+$0xFFFFFFF0];
	v10 =	vshll.u32 v10, $0x1  }
0x45: {  	v20 =	vld [tilespmem:s29+$0x0];
	v11 =	vshrl.u32 v11, $0x2;
	v12 =	vshrl.u32 v12, $0x2;
	v13 =	vshrl.u32 v13, $0x5  }
0x46: {  	v21 =	vld [tilespmem:s29+$0x10];
	v14 =	vshll.u32 v14, $0x1;
	v10 =	vand.u32 $0x1FFFFC0, v10;
	v11 =	vand.u32 $0x1FFFFF8, v11  }
0x47: {  	v15 =	vshrl.u32 v15, $0x2;
	v16 =	vshll.u32 v16, $0x1;
	v10 =	vadd.s32 v10, v11;
	v11 =	vld [tilespmem:s26+$0x0]  }
0x48: {  	v10 =	vadd.s32 v13, v10;
	v13 =	vand.u32 $0x1FFFFC0, v14;
	v14 =	vand.u32 $0x1FFFFF8, v15  }
0x49: {  	v22 =	vld [tilespmem:s26+$0x20];
	v18 =	vshll.u32 v18, $0x1;
	v13 =	vadd.s32 v13, v14;
	v14 =	vshrl.u32 v17, $0x2  }
0x4a: {  	v20 =	vshll.u32 v20, $0x1;
	v16 =	vand.u32 $0x1FFFFC0, v16;
	v15 =	vld [tilespmem:s26+$0x10];
	v14 =	vand.u32 $0x1FFFFF8, v14  }
0x4b: {  	v14 =	vadd.s32 v16, v14;
	v16 =	vand.u32 $0x1FFFFC0, v18;
	v18 =	vshrl.u32 v19, $0x2;
	v19 =	vld [tilespmem:s29+$0xFFFFFFC0]  }
0x4c: {  	v21 =	vshll.u32 v21, $0x1;
	v17 =	vld [tilespmem:s29+$0x20];
	v18 =	vand.u32 $0x1FFFFF8, v18;
	v11 =	vshrl.u32 v11, $0x2  }
0x4d: {  	v59 =	vld [tilespmem:s28+$0xFFFFFFC0];
	v16 =	vadd.s32 v16, v18;
	v18 =	vand.u32 $0x1FFFFC0, v20;
	v11 =	vand.u32 $0x1FFFFF8, v11  }
0x4e: {  	v60 =	vshrl.u32 v22, $0x2;
	v12 =	vand.u32 $0x1FFFFF8, v12;
	v11 =	vadd.s32 v18, v11;
	v18 =	vld [tilespmem:s28+$0xFFFFFFD0]  }
0x4f: {  	v23 =	vld [tilespmem:s28+$0xFFFFFFE0];
	v21 =	vand.u32 $0x1FFFFC0, v21;
	v10 =	vshll.u32 v10, $0x7;
	v15 =	vshrl.u32 v15, $0x2  }
0x50: {  	v61 =	vld [tilespmem:s28+$0xFFFFFFF0];
	v10 =	vor.u32 v9, v10;
	v15 =	vand.u32 $0x1FFFFF8, v15;
	v19 =	vshll.u32 v19, $0x1  }
0x51: {  	v24 =	vld [tilespmem:s28+$0x0];
	v17 =	vshll.u32 v17, $0x1;
	v15 =	vadd.s32 v21, v15;
	v19 =	vand.u32 $0x1FFFFC0, v19  }
0x52: {  	v17 =	vand.u32 $0x1FFFFC0, v17;
	v21 =	vand.u32 $0x1FFFFF8, v60;
	v12 =	vadd.s32 v19, v12;
	v19 =	vld [tilespmem:s28+$0x10]  }
0x53: {  	v62 =	vld [tilespmem:s28+$0x20];
	v20 =	vshrl.u32 v59, $0x5;
	v17 =	vadd.s32 v17, v21;
	v18 =	vshrl.u32 v18, $0x5  }
0x54: {  	v12 =	vadd.s32 v20, v12;
	v13 =	vadd.s32 v18, v13;
	v18 =	vshrl.u32 v23, $0x5  }
0x55: {  	v12 =	vshll.u32 v12, $0x7;
	v14 =	vadd.s32 v18, v14;
	v18 =	vshrl.u32 v61, $0x5  }
0x56: {  	v63 =	vshll.u32 v13, $0x7;
	v16 =	vadd.s32 v18, v16;
	v18 =	vshrl.u32 v24, $0x5  }
0x57: {  	v12 =	vor.u32 v0, v12;
	v11 =	vadd.s32 v18, v11;
	v18 =	vshrl.u32 v19, $0x5  }
0x58: {  	v13 =	vshll.u32 v14, $0x7;
	v15 =	vadd.s32 v18, v15;
	v18 =	vshrl.u32 v62, $0x5  }
0x59: {  	v14 =	vshll.u32 v16, $0x7;
	v16 =	vshll.u32 v11, $0x7;
	v11 =	vadd.s32 v18, v17  }
0x5a: {  	s30 =	simm.s32 $0xC0;
	s29 =	simm.s32 $0x0;
	[tilespmem:v10+s20+$0x0] =	vst.idx.add.s32.msk $0xffff, v2;
	v10 =	vor.u32 v3, v63;
	v15 =	vshll.u32 v15, $0x7;
	v17 =	vshll.u32 v11, $0x7  }
.LBB2_5:
0x5b: {  	v18 =	vld [tilespmem:s30+$0x30];
	v13 =	vor.u32 v4, v13;
	v14 =	vor.u32 v5, v14;
	v16 =	vor.u32 v6, v16;
	s26 =	sadd.s32 $0x80, s26  }
0x5c: {  	s29 =	sadd.s32 $0x8, s29;
	v20 =	vor.u32 v7, v15;
	v11 =	vor.u32 v8, v17;
	v19 =	vld [tilespmem:s26+$0x30]  }
0x5d: {  	s28 =	sadd.s32 $0x80, s28;
	p0 =	slt.u32 s29, $0x1F8;
	v15 =	vld [tilespmem:s26+$0xFFFFFFC0]  }
0x5e: {  	v17 =	vld [tilespmem:s28+$0x30]  }
0x5f: {  	v21 =	vld [tilespmem:s30+$0xFFFFFFD0]  }
0x60: {  	v22 =	vld [tilespmem:s26+$0xFFFFFFD0]  }
0x61: {  	v18 =	vshll.u32 v18, $0x1;
	v23 =	vld [tilespmem:s30+$0xFFFFFFE0];
	v19 =	vshrl.u32 v19, $0x2  }
0x62: {  	v18 =	vand.u32 $0x1FFFFC0, v18;
	v15 =	vshrl.u32 v15, $0x2;
	v24 =	vld [tilespmem:s26+$0xFFFFFFE0];
	v19 =	vand.u32 $0x1FFFFF8, v19  }
0x63: {  	v15 =	vand.u32 $0x1FFFFF8, v15;
	v25 =	vld [tilespmem:s30+$0xFFFFFFF0];
	v18 =	vadd.s32 v18, v19;
	v17 =	vshrl.u32 v17, $0x5  }
0x64: {  	v19 =	vshll.u32 v21, $0x1;
	v21 =	vld [tilespmem:s26+$0xFFFFFFF0];
	v17 =	vadd.s32 v17, v18  }
0x65: {  	v18 =	vand.u32 $0x1FFFFC0, v19;
	v19 =	vshrl.u32 v22, $0x2;
	v22 =	vld [tilespmem:s30+$0x0];
	v17 =	vshll.u32 v17, $0x7  }
0x66: {  	v19 =	vand.u32 $0x1FFFFF8, v19;
	v23 =	vshll.u32 v23, $0x1;
	v26 =	vld [tilespmem:s26+$0x0];
	v17 =	vor.u32 v9, v17  }
0x67: {  	v18 =	vadd.s32 v18, v19;
	v19 =	vand.u32 $0x1FFFFC0, v23;
	v23 =	vshrl.u32 v24, $0x2;
	v24 =	vld [tilespmem:s30+$0x10]  }
0x68: {  	v23 =	vand.u32 $0x1FFFFF8, v23;
	v25 =	vshll.u32 v25, $0x1;
	v27 =	vld [tilespmem:s26+$0x10]  }
0x69: {  	v19 =	vadd.s32 v19, v23;
	v23 =	vand.u32 $0x1FFFFC0, v25;
	v21 =	vshrl.u32 v21, $0x2;
	v25 =	vld [tilespmem:s30+$0x20]  }
0x6a: {  	v21 =	vand.u32 $0x1FFFFF8, v21;
	v22 =	vshll.u32 v22, $0x1;
	v28 =	vld [tilespmem:s26+$0x20]  }
0x6b: {  	v21 =	vadd.s32 v23, v21;
	v22 =	vand.u32 $0x1FFFFC0, v22;
	v23 =	vshrl.u32 v26, $0x2;
	[tilespmem:v17+s20+$0x0] =	vst.idx.add.s32.msk $0xffff, v2  }
0x6c: {  	v17 =	vld [tilespmem:s30+$0xFFFFFFC0];
	v23 =	vand.u32 $0x1FFFFF8, v23;
	v24 =	vshll.u32 v24, $0x1  }
0x6d: {  	v26 =	vld [tilespmem:s28+$0xFFFFFFC0];
	v22 =	vadd.s32 v22, v23;
	v23 =	vand.u32 $0x1FFFFC0, v24;
	v24 =	vshrl.u32 v27, $0x2  }
0x6e: {  	v27 =	vld [tilespmem:s28+$0xFFFFFFD0];
	v24 =	vand.u32 $0x1FFFFF8, v24;
	v25 =	vshll.u32 v25, $0x1  }
0x6f: {  	v29 =	vld [tilespmem:s28+$0xFFFFFFE0];
	v23 =	vadd.s32 v23, v24;
	v24 =	vand.u32 $0x1FFFFC0, v25;
	v25 =	vshrl.u32 v28, $0x2  }
0x70: {  	v28 =	vld [tilespmem:s28+$0xFFFFFFF0];
	v25 =	vand.u32 $0x1FFFFF8, v25  }
0x71: {  	v17 =	vshll.u32 v17, $0x1;
	v30 =	vld [tilespmem:s28+$0x0];
	v24 =	vadd.s32 v24, v25  }
0x72: {  	v17 =	vand.u32 $0x1FFFFC0, v17;
	v25 =	vshrl.u32 v26, $0x5;
	v26 =	vld [tilespmem:s28+$0x10]  }
0x73: {  	v15 =	vadd.s32 v17, v15;
	v17 =	vshrl.u32 v27, $0x5;
	v27 =	vld [tilespmem:s28+$0x20]  }
0x74: {  	v15 =	vadd.s32 v25, v15;
	v17 =	vadd.s32 v17, v18;
	v18 =	vshrl.u32 v29, $0x5;
	[tilespmem:v12+s20+$0x0] =	vst.idx.add.s32.msk $0xffff, v2  }
0x75: {  	v12 =	vshll.u32 v15, $0x7;
	v15 =	vadd.s32 v18, v19;
	v18 =	vshrl.u32 v28, $0x5;
	[tilespmem:v10+s20+$0x0] =	vst.idx.add.s32.msk $0xffff, v2  }
.Ltmp1:
0x76: {  	v10 =	vshll.u32 v17, $0x7;
	v17 =	vadd.s32 v18, v21;
	v18 =	vshrl.u32 v30, $0x5;
	[tilespmem:v13+s20+$0x0] =	vst.idx.add.s32.msk $0xffff, v2;
	(pc) =	sbr.rel @p0 .LBB2_5-.Ltmp1, $4  }
0x77: {  	v13 =	vshll.u32 v15, $0x7;
	v15 =	vadd.s32 v18, v22;
	v18 =	vshrl.u32 v26, $0x5;
	[tilespmem:v14+s20+$0x0] =	vst.idx.add.s32.msk $0xffff, v2  }
0x78: {  	v14 =	vshll.u32 v17, $0x7;
	v17 =	vadd.s32 v18, v23;
	v18 =	vshrl.u32 v27, $0x5;
	[tilespmem:v16+s20+$0x0] =	vst.idx.add.s32.msk $0xffff, v2  }
0x79: {  	v16 =	vshll.u32 v15, $0x7;
	v15 =	vshll.u32 v17, $0x7;
	v17 =	vadd.s32 v18, v24;
	[tilespmem:v20+s20+$0x0] =	vst.idx.add.s32.msk $0xffff, v2  }
0x7a: {  	s30 =	sadd.s32 $0x80, s30;
	v12 =	vor.u32 v0, v12;
	v10 =	vor.u32 v3, v10;
	v17 =	vshll.u32 v17, $0x7;
	[tilespmem:v11+s20+$0x0] =	vst.idx.add.s32.msk $0xffff, v2  }
0x7b: {  	_ = 	snop  }
0x7c: {  	v11 =	vor.u32 v4, v13  }
0x7d: {  	v13 =	vor.u32 v5, v14  }
0x7e: {  	v14 =	vor.u32 v6, v16  }
0x7f: {  	v15 =	vor.u32 v7, v15;
	[tilespmem:v12+s20+$0x0] =	vst.idx.add.s32.msk $0xffff, v2  }
0x80: {  	v12 =	vor.u32 v8, v17;
	[tilespmem:v10+s20+$0x0] =	vst.idx.add.s32.msk $0xffff, v2  }
0x81: {  	[tilespmem:v11+s20+$0x0] =	vst.idx.add.s32.msk $0xffff, v2  }
0x82: {  	p0 =	seq.s32 s24, $0x17;
	[tilespmem:v13+s20+$0x0] =	vst.idx.add.s32.msk $0xffff, v2  }
0x83: {  	s25 =	sadd.s32 @!p0 s25, s10;
	[tilespmem:v14+s20+$0x0] =	vst.idx.add.s32.msk $0xffff, v2  }
0x84: {  	s29 =	simm.s32 @!p0 $0x400;
	s30 =	simm.s32 @!p0 $0x800;
	s26 =	sshrl.u32 @!p0 s25, $0x3;
	[tilespmem:v15+s20+$0x0] =	vst.idx.add.s32.msk $0xffff, v2  }
0x85: {  	s31 =	simm.s32 @!p0 $0x0;
	s25 =	sadd.s32 @!p0 $0x8000, s25;
	s28 =	sadd.s32 @!p0 s2, s26;
	[tilespmem:v12+s20+$0x0] =	vst.idx.add.s32.msk $0xffff, v2  }
0x86: {  	[tilespmem:s31], [sflag:$0x1] =	stream.strided.gather @!p0 [hbm4b:s28+s29], $0x2000, s30, s29, $0x38;
	[tilespmem:$0x1C000] =	vst v63  }
0x87: {  	s26 =	sadd.s32 @!p0 s26, s6;
	s25 =	sshrl.u32 @!p0 s25, $0x3;
	s28 =	simm.s32 @!p0 $0x2000  }
0x88: {  	[tilespmem:s28], [sflag:$0x1] =	stream.strided.gather @!p0 [hbm4b:s26+s29], $0x2000, s30, s29, $0x38;
	[tilespmem:$0x1C000] =	vst v63  }
0x89: {  	s25 =	sadd.s32 @!p0 s2, s25;
	s26 =	simm.s32 @!p0 $0x4000  }
0x8a: {  	[tilespmem:s26], [sflag:$0x1] =	stream.strided.gather @!p0 [hbm4b:s25+s29], $0x2000, s30, s29, $0x38;
	[tilespmem:$0x1C000] =	vst v63  }
0x8b: {  	_ =	swait.ge [sflag:s21], $0x2000  }
0x8c: {  	[sflag:s21] =	ssyncset.done $0x0  }
0x8d: {  	[sflag:s21] =	ssyncadd.s32 $0xFFFFE000  }
0x8e: {  	_ =	swait.ge [sflag:s21], $0x2000  }
0x8f: {  	[sflag:s21] =	ssyncset.done $0x0  }
0x90: {  	[sflag:s21] =	ssyncadd.s32 $0xFFFFE000  }
0x91: {  	_ =	swait.ge [sflag:s21], $0x2000  }
0x92: {  	[sflag:s21] =	ssyncset.done $0x0  }
0x93: {  	s28 =	simm.s32 $0x6040;
	[sflag:s21] =	ssyncadd.s32 $0xFFFFE000  }
0x94: {  	s25 =	simm.s32 $0x8040;
	v10 =	vld [tilespmem:s28+$0x30]  }
0x95: {  	v11 =	vld [tilespmem:s25+$0x30]  }
0x96: {  	s26 =	simm.s32 $0xA040;
	v12 =	vld [tilespmem:s25+$0xFFFFFFC0]  }
0x97: {  	v13 =	vld [tilespmem:s26+$0x30]  }
0x98: {  	v14 =	vld [tilespmem:s28+$0xFFFFFFD0]  }
0x99: {  	v15 =	vld [tilespmem:s25+$0xFFFFFFD0]  }
0x9a: {  	v16 =	vld [tilespmem:s28+$0xFFFFFFE0]  }
0x9b: {  	v17 =	vld [tilespmem:s25+$0xFFFFFFE0]  }
0x9c: {  	v18 =	vld [tilespmem:s28+$0xFFFFFFF0]  }
0x9d: {  	v19 =	vld [tilespmem:s25+$0xFFFFFFF0];
	v10 =	vshll.u32 v10, $0x1  }
0x9e: {  	v20 =	vld [tilespmem:s28+$0x0];
	v11 =	vshrl.u32 v11, $0x2;
	v12 =	vshrl.u32 v12, $0x2;
	v13 =	vshrl.u32 v13, $0x5  }
0x9f: {  	v21 =	vld [tilespmem:s28+$0x10];
	v14 =	vshll.u32 v14, $0x1;
	v10 =	vand.u32 $0x1FFFFC0, v10;
	v11 =	vand.u32 $0x1FFFFF8, v11  }
0xa0: {  	v15 =	vshrl.u32 v15, $0x2;
	v16 =	vshll.u32 v16, $0x1;
	v10 =	vadd.s32 v10, v11;
	v11 =	vld [tilespmem:s25+$0x0]  }
0xa1: {  	v10 =	vadd.s32 v13, v10;
	v13 =	vand.u32 $0x1FFFFC0, v14;
	v14 =	vand.u32 $0x1FFFFF8, v15  }
0xa2: {  	v22 =	vld [tilespmem:s25+$0x20];
	v18 =	vshll.u32 v18, $0x1;
	v13 =	vadd.s32 v13, v14;
	v14 =	vshrl.u32 v17, $0x2  }
0xa3: {  	v20 =	vshll.u32 v20, $0x1;
	v16 =	vand.u32 $0x1FFFFC0, v16;
	v15 =	vld [tilespmem:s25+$0x10];
	v14 =	vand.u32 $0x1FFFFF8, v14  }
0xa4: {  	v14 =	vadd.s32 v16, v14;
	v16 =	vand.u32 $0x1FFFFC0, v18;
	v18 =	vshrl.u32 v19, $0x2;
	v19 =	vld [tilespmem:s28+$0xFFFFFFC0]  }
0xa5: {  	v21 =	vshll.u32 v21, $0x1;
	v17 =	vld [tilespmem:s28+$0x20];
	v18 =	vand.u32 $0x1FFFFF8, v18;
	v11 =	vshrl.u32 v11, $0x2  }
0xa6: {  	v59 =	vld [tilespmem:s26+$0xFFFFFFC0];
	v16 =	vadd.s32 v16, v18;
	v18 =	vand.u32 $0x1FFFFC0, v20;
	v11 =	vand.u32 $0x1FFFFF8, v11  }
0xa7: {  	v60 =	vshrl.u32 v22, $0x2;
	v12 =	vand.u32 $0x1FFFFF8, v12;
	v11 =	vadd.s32 v18, v11;
	v18 =	vld [tilespmem:s26+$0xFFFFFFD0]  }
0xa8: {  	v23 =	vld [tilespmem:s26+$0xFFFFFFE0];
	v21 =	vand.u32 $0x1FFFFC0, v21;
	v10 =	vshll.u32 v10, $0x7;
	v15 =	vshrl.u32 v15, $0x2  }
0xa9: {  	v61 =	vld [tilespmem:s26+$0xFFFFFFF0];
	v10 =	vor.u32 v9, v10;
	v15 =	vand.u32 $0x1FFFFF8, v15;
	v19 =	vshll.u32 v19, $0x1  }
0xaa: {  	v24 =	vld [tilespmem:s26+$0x0];
	v17 =	vshll.u32 v17, $0x1;
	v15 =	vadd.s32 v21, v15;
	v19 =	vand.u32 $0x1FFFFC0, v19  }
0xab: {  	v17 =	vand.u32 $0x1FFFFC0, v17;
	v21 =	vand.u32 $0x1FFFFF8, v60;
	v12 =	vadd.s32 v19, v12;
	v19 =	vld [tilespmem:s26+$0x10]  }
0xac: {  	v62 =	vld [tilespmem:s26+$0x20];
	v20 =	vshrl.u32 v59, $0x5;
	v17 =	vadd.s32 v17, v21;
	v18 =	vshrl.u32 v18, $0x5  }
0xad: {  	v12 =	vadd.s32 v20, v12;
	v13 =	vadd.s32 v18, v13;
	v18 =	vshrl.u32 v23, $0x5  }
0xae: {  	v12 =	vshll.u32 v12, $0x7;
	v14 =	vadd.s32 v18, v14;
	v18 =	vshrl.u32 v61, $0x5  }
0xaf: {  	v63 =	vshll.u32 v13, $0x7;
	v16 =	vadd.s32 v18, v16;
	v18 =	vshrl.u32 v24, $0x5  }
0xb0: {  	v12 =	vor.u32 v0, v12;
	v11 =	vadd.s32 v18, v11;
	v18 =	vshrl.u32 v19, $0x5  }
0xb1: {  	v13 =	vshll.u32 v14, $0x7;
	v15 =	vadd.s32 v18, v15;
	v18 =	vshrl.u32 v62, $0x5  }
0xb2: {  	v14 =	vshll.u32 v16, $0x7;
	v16 =	vshll.u32 v11, $0x7;
	v11 =	vadd.s32 v18, v17  }
0xb3: {  	s29 =	simm.s32 $0x60C0;
	s28 =	simm.s32 $0x0;
	[tilespmem:v10+s20+$0x0] =	vst.idx.add.s32.msk $0xffff, v2;
	v10 =	vor.u32 v3, v63;
	v15 =	vshll.u32 v15, $0x7;
	v17 =	vshll.u32 v11, $0x7  }
.LBB2_7:
0xb4: {  	v18 =	vld [tilespmem:s29+$0x30];
	v13 =	vor.u32 v4, v13;
	v14 =	vor.u32 v5, v14;
	v16 =	vor.u32 v6, v16;
	s25 =	sadd.s32 $0x80, s25  }
0xb5: {  	s28 =	sadd.s32 $0x8, s28;
	v20 =	vor.u32 v7, v15;
	v11 =	vor.u32 v8, v17;
	v19 =	vld [tilespmem:s25+$0x30]  }
0xb6: {  	s26 =	sadd.s32 $0x80, s26;
	p0 =	slt.u32 s28, $0x1F8;
	v15 =	vld [tilespmem:s25+$0xFFFFFFC0]  }
0xb7: {  	v17 =	vld [tilespmem:s26+$0x30]  }
0xb8: {  	v21 =	vld [tilespmem:s29+$0xFFFFFFD0]  }
0xb9: {  	v22 =	vld [tilespmem:s25+$0xFFFFFFD0]  }
0xba: {  	v18 =	vshll.u32 v18, $0x1;
	v23 =	vld [tilespmem:s29+$0xFFFFFFE0];
	v19 =	vshrl.u32 v19, $0x2  }
0xbb: {  	v18 =	vand.u32 $0x1FFFFC0, v18;
	v15 =	vshrl.u32 v15, $0x2;
	v24 =	vld [tilespmem:s25+$0xFFFFFFE0];
	v19 =	vand.u32 $0x1FFFFF8, v19  }
0xbc: {  	v15 =	vand.u32 $0x1FFFFF8, v15;
	v25 =	vld [tilespmem:s29+$0xFFFFFFF0];
	v18 =	vadd.s32 v18, v19;
	v17 =	vshrl.u32 v17, $0x5  }
0xbd: {  	v19 =	vshll.u32 v21, $0x1;
	v21 =	vld [tilespmem:s25+$0xFFFFFFF0];
	v17 =	vadd.s32 v17, v18  }
0xbe: {  	v18 =	vand.u32 $0x1FFFFC0, v19;
	v19 =	vshrl.u32 v22, $0x2;
	v22 =	vld [tilespmem:s29+$0x0];
	v17 =	vshll.u32 v17, $0x7  }
0xbf: {  	v19 =	vand.u32 $0x1FFFFF8, v19;
	v23 =	vshll.u32 v23, $0x1;
	v26 =	vld [tilespmem:s25+$0x0];
	v17 =	vor.u32 v9, v17  }
0xc0: {  	v18 =	vadd.s32 v18, v19;
	v19 =	vand.u32 $0x1FFFFC0, v23;
	v23 =	vshrl.u32 v24, $0x2;
	v24 =	vld [tilespmem:s29+$0x10]  }
0xc1: {  	v23 =	vand.u32 $0x1FFFFF8, v23;
	v25 =	vshll.u32 v25, $0x1;
	v27 =	vld [tilespmem:s25+$0x10]  }
0xc2: {  	v19 =	vadd.s32 v19, v23;
	v23 =	vand.u32 $0x1FFFFC0, v25;
	v21 =	vshrl.u32 v21, $0x2;
	v25 =	vld [tilespmem:s29+$0x20]  }
0xc3: {  	v21 =	vand.u32 $0x1FFFFF8, v21;
	v22 =	vshll.u32 v22, $0x1;
	v28 =	vld [tilespmem:s25+$0x20]  }
0xc4: {  	v21 =	vadd.s32 v23, v21;
	v22 =	vand.u32 $0x1FFFFC0, v22;
	v23 =	vshrl.u32 v26, $0x2;
	[tilespmem:v17+s20+$0x0] =	vst.idx.add.s32.msk $0xffff, v2  }
0xc5: {  	v17 =	vld [tilespmem:s29+$0xFFFFFFC0];
	v23 =	vand.u32 $0x1FFFFF8, v23;
	v24 =	vshll.u32 v24, $0x1  }
0xc6: {  	v26 =	vld [tilespmem:s26+$0xFFFFFFC0];
	v22 =	vadd.s32 v22, v23;
	v23 =	vand.u32 $0x1FFFFC0, v24;
	v24 =	vshrl.u32 v27, $0x2  }
0xc7: {  	v27 =	vld [tilespmem:s26+$0xFFFFFFD0];
	v24 =	vand.u32 $0x1FFFFF8, v24;
	v25 =	vshll.u32 v25, $0x1  }
0xc8: {  	v29 =	vld [tilespmem:s26+$0xFFFFFFE0];
	v23 =	vadd.s32 v23, v24;
	v24 =	vand.u32 $0x1FFFFC0, v25;
	v25 =	vshrl.u32 v28, $0x2  }
0xc9: {  	v28 =	vld [tilespmem:s26+$0xFFFFFFF0];
	v25 =	vand.u32 $0x1FFFFF8, v25  }
0xca: {  	v17 =	vshll.u32 v17, $0x1;
	v30 =	vld [tilespmem:s26+$0x0];
	v24 =	vadd.s32 v24, v25  }
0xcb: {  	v17 =	vand.u32 $0x1FFFFC0, v17;
	v25 =	vshrl.u32 v26, $0x5;
	v26 =	vld [tilespmem:s26+$0x10]  }
0xcc: {  	v15 =	vadd.s32 v17, v15;
	v17 =	vshrl.u32 v27, $0x5;
	v27 =	vld [tilespmem:s26+$0x20]  }
0xcd: {  	v15 =	vadd.s32 v25, v15;
	v17 =	vadd.s32 v17, v18;
	v18 =	vshrl.u32 v29, $0x5;
	[tilespmem:v12+s20+$0x0] =	vst.idx.add.s32.msk $0xffff, v2  }
0xce: {  	v12 =	vshll.u32 v15, $0x7;
	v15 =	vadd.s32 v18, v19;
	v18 =	vshrl.u32 v28, $0x5;
	[tilespmem:v10+s20+$0x0] =	vst.idx.add.s32.msk $0xffff, v2  }
.Ltmp2:
0xcf: {  	v10 =	vshll.u32 v17, $0x7;
	v17 =	vadd.s32 v18, v21;
	v18 =	vshrl.u32 v30, $0x5;
	[tilespmem:v13+s20+$0x0] =	vst.idx.add.s32.msk $0xffff, v2;
	(pc) =	sbr.rel @p0 .LBB2_7-.Ltmp2, $4  }
0xd0: {  	v13 =	vshll.u32 v15, $0x7;
	v15 =	vadd.s32 v18, v22;
	v18 =	vshrl.u32 v26, $0x5;
	[tilespmem:v14+s20+$0x0] =	vst.idx.add.s32.msk $0xffff, v2  }
0xd1: {  	v14 =	vshll.u32 v17, $0x7;
	v17 =	vadd.s32 v18, v23;
	v18 =	vshrl.u32 v27, $0x5;
	[tilespmem:v16+s20+$0x0] =	vst.idx.add.s32.msk $0xffff, v2  }
0xd2: {  	v16 =	vshll.u32 v15, $0x7;
	v15 =	vshll.u32 v17, $0x7;
	v17 =	vadd.s32 v18, v24;
	[tilespmem:v20+s20+$0x0] =	vst.idx.add.s32.msk $0xffff, v2  }
0xd3: {  	s29 =	sadd.s32 $0x80, s29;
	v12 =	vor.u32 v0, v12;
	v10 =	vor.u32 v3, v10;
	v17 =	vshll.u32 v17, $0x7;
	[tilespmem:v11+s20+$0x0] =	vst.idx.add.s32.msk $0xffff, v2  }
0xd4: {  	_ = 	snop  }
0xd5: {  	v11 =	vor.u32 v4, v13  }
0xd6: {  	v61 =	vor.u32 v5, v14  }
0xd7: {  	v62 =	vor.u32 v6, v16  }
0xd8: {  	v15 =	vor.u32 v7, v15;
	[tilespmem:v12+s20+$0x0] =	vst.idx.add.s32.msk $0xffff, v2;
	s24 =	sadd.s32 $0x1, s24  }
0xd9: {  	v63 =	vor.u32 v8, v17;
	[tilespmem:v10+s20+$0x0] =	vst.idx.add.s32.msk $0xffff, v2;
	p0 =	sne.s32 s24, $0x18  }
.Ltmp3:
0xda: {  	[tilespmem:v11+s20+$0x0] =	vst.idx.add.s32.msk $0xffff, v2;
	(pc) =	sbr.rel @p0 .LBB2_4-.Ltmp3, $4  }
0xdb: {  	[tilespmem:v61+s20+$0x0] =	vst.idx.add.s32.msk $0xffff, v2  }
0xdc: {  	[tilespmem:v62+s20+$0x0] =	vst.idx.add.s32.msk $0xffff, v2  }
0xdd: {  	[tilespmem:v15+s20+$0x0] =	vst.idx.add.s32.msk $0xffff, v2  }
0xde: {  	[tilespmem:v63+s20+$0x0] =	vst.idx.add.s32.msk $0xffff, v2  }
0xdf: {  	s23 =	sadd.s32 $0x1, s23  }
0xe0: {  	p0 =	sne.s32 s23, s12  }
.Ltmp4:
0xe1: {  	_ = 	snop;
	(pc) =	sbr.rel @p0 .LBB2_1-.Ltmp4, $4  }
0xe2: {  	[hbm4b:s11+s13] =	stream.strided.scatter [tilespmem:s20], [sflag:$0x3], $0x10000, s18, s13, $0x38;
	[tilespmem:$0x1C000] =	vst v63  }
0xe3: {  	_ =	swait.ge [sflag:s22], $0x10000  }
0xe4: {  	[sflag:s22] =	ssyncset.done $0x0  }
0xe5: {  	[sflag:s22] =	ssyncadd.s32 $0xFFFF0000  }
0xe6: {  	_ =	sfence.sel $0x180000  }
0xe7: {  	[bflag:$0x0] =	sbarrier.arrive $0xFFFF  }
0xe8: {  	p0 =	sne.s32 s0, $0x0;
	_ =	strace $0x90000047  }
0xe9: {  	s0 =	sadd.s32 @!p0 $0x100000, s1;
	[bflag:$0x2] =	sbarrier.arrive $0xFFFF  }
0xea: {  	[sflag:s0] =	ssyncadd.tile.s32 @!p0 $0x1;
	_ =	shalt  }
.Lfunc_end2:
_tile_overlayer_lowered:
.L_overlay_start_2:
0xeb: {  	(tag) =	ssettag $0x2  }
0xec: {  	s0 =	rddreg [dreg:$0x0];
	s2 =	stileid.u32  }
0xed: {  	s1 =	rddreg [dreg:$0x1];
	p0 =	sne.s32 s2, $0x0  }
0xee: {  	s3 =	rddreg [dreg:$0x2];
	[bflag:$0x3] =	sbarrier.arrive $0xFFFF;
	s2 =	simm.s32 @!p0 $0x1C03  }
0xef: {  	[timem:s3], [sflag:s2] =	dma.local @!p0 [hbm:s0], s1  }
0xf0: {  	s0 =	simm.s32 @!p0 $0x3  }
0xf1: {  	_ =	swait.ge @!p0 [sflag:s0], s1  }
0xf2: {  	s1 =	ssub.s32 @!p0 $0x0, s1;
	[sflag:s0] =	ssyncset.done @!p0 $0x0  }
0xf3: {  	[sflag:s0] =	ssyncadd.s32 @!p0 s1  }
0xf4: {  	[bflag:$0x3] =	sbarrier.arrive $0xFFFF  }
0xf5: {  	_ =	shalt  }

</sc_bundles>
